<compile_context>
chip_gen: v7x
topology: tpu7x:2x2x1
jax: 0.10.2.dev20260603
libtpu: 0.0.44.dev20260713+nightly
codegen_flags: <defaults>
</compile_context>

<pallas_src>
import functools

import jax
import jax.numpy as jnp
from jax import lax
from jax.experimental import pallas as pl
from jax.experimental.pallas import tpu as pltpu
from jax.experimental.pallas import tpu_sc as plsc

V = 100000
D = 16
TAU = 0.1
S = 1048576

NC = 2
NS = 16
NW = NC * NS
L = 16
PER_W = S // NW
CHUNK = 8192
NCHUNK = PER_W // CHUNK
UNROLL = 8
VPAD = 100096
VSLICE = VPAD // NS
GRID = 10
BLOCK_V = V // GRID

_CSCALE = 4095.0


def _prep_body(e_ref, w2_ref, b_ref, lg_ref, o_ref):
    q = lax.dot_general(
        w2_ref[...], e_ref[...], (((1,), (0,)), ((), ())),
        preferred_element_type=jnp.float32,
    )
    q = (q + b_ref[...]) * (1.0 / TAU)
    w = jnp.exp(q)
    wb = (lax.bitcast_convert_type(w, jnp.int32) + 0x800) & -4096
    c = 1.0 / (1.0 + jnp.exp(-lg_ref[...]))
    cu = (c * _CSCALE + 0.5).astype(jnp.int32)
    o_ref[pl.ds(0, V)] = wb.reshape(V) | cu


def _final_body(p_ref, cr_ref, o_ref):
    p = p_ref[...]
    den = jnp.sum(p[:, :L])
    num = jnp.sum(p[:, L:])
    explained = num / (jnp.maximum(den, 1e-30) * _CSCALE)
    explained = jnp.clip(explained, 0.0, 1.0)
    o_ref[...] = jnp.where(
        cr_ref[...] > 0.5,
        jax.nn.relu(1.0 - explained),
        jax.nn.relu(explained),
    )


def _sc_main(table_hbm, trace_hbm, out_hbm, table_v, buf0_v, buf1_v, res_v,
             table_sh, sem0, sem1):
    sid = lax.axis_index("s")
    wid = sid * NC + lax.axis_index("c")
    base = wid * PER_W
    bufs = [buf0_v, buf1_v]
    sems = [sem0, sem1]

    copies = [
        pltpu.async_copy(trace_hbm.at[pl.ds(base, CHUNK)], bufs[0], sems[0]),
        None,
    ]
    sl = pl.ds(sid * VSLICE, VSLICE)
    pltpu.sync_copy(table_hbm.at[sl], table_v.at[sl])
    pltpu.sync_copy(table_v.at[sl], table_sh.at[sl])
    plsc.subcore_barrier()
    pltpu.sync_copy(table_sh, table_v)

    mask12 = jnp.full((L,), 0xFFF, dtype=jnp.int32)
    maskw = jnp.full((L,), -4096, dtype=jnp.int32)
    carry = (jnp.zeros((L,), jnp.float32), jnp.zeros((L,), jnp.float32))

    for g in range(NCHUNK):
        nxt = g + 1
        if nxt < NCHUNK:
            copies[nxt % 2] = pltpu.async_copy(
                trace_hbm.at[pl.ds(base + nxt * CHUNK, CHUNK)],
                bufs[nxt % 2], sems[nxt % 2])
        copies[g % 2].wait()
        buf_v = bufs[g % 2]

        def body(j, car, buf_v=buf_v):
            den, num = car
            b = j * (L * UNROLL)
            for k in range(UNROLL):
                idx = buf_v[pl.ds(b + k * L, L)]
                packed = plsc.load_gather(table_v, [idx])
                w = plsc.bitcast(packed & maskw, jnp.float32)
                cf = (packed & mask12).astype(jnp.float32)
                den = den + w
                num = num + w * cf
            return (den, num)

        carry = lax.fori_loop(0, CHUNK // (L * UNROLL), body, carry)

    den, num = carry
    res_v[pl.ds(0, L)] = den
    res_v[pl.ds(L, L)] = num
    pltpu.sync_copy(res_v, out_hbm.at[wid])


def kernel(embed_table, attn_w, attn_b, causality_logits, event_trace, is_crash):
    et_t = embed_table.T
    b2 = attn_b.reshape(1, 1)

    packed = pl.pallas_call(
        _prep_body,
        out_shape=jax.ShapeDtypeStruct((VPAD,), jnp.int32),
    )(et_t, attn_w, b2, causality_logits)

    mesh = plsc.VectorSubcoreMesh(core_axis_name="c", subcore_axis_name="s")
    sc_call = functools.partial(
        pl.kernel,
        mesh=mesh,
        compiler_params=pltpu.CompilerParams(needs_layout_passes=False),
        out_type=jax.ShapeDtypeStruct((NW, 2 * L), jnp.float32),
        scratch_types=[
            pltpu.VMEM((VPAD,), jnp.int32),
            pltpu.VMEM((CHUNK,), jnp.int32),
            pltpu.VMEM((CHUNK,), jnp.int32),
            pltpu.VMEM((2 * L,), jnp.float32),
            pltpu.VMEM_SHARED((VPAD,), jnp.int32),
            pltpu.SemaphoreType.DMA,
            pltpu.SemaphoreType.DMA,
        ],
    )(_sc_main)
    partials = sc_call(packed, event_trace.astype(jnp.int32))

    crash2d = jnp.asarray(is_crash, jnp.float32).reshape(1, 1)
    res = pl.pallas_call(
        _final_body,
        out_shape=jax.ShapeDtypeStruct((1, 1), jnp.float32),
    )(partials, crash2d)
    return res[0, 0]

# --- scband reference (transcript-rebuilt; emitter-appended) ---
"""Pipeline reference for scband-temporal-causal-mlnn-30511447670811 (READ-ONLY COPY).

The authoritative reference and input builder live on the scoring server;
editing this copy changes nothing except your own understanding.
"""

import jax, jax.numpy as jnp
import numpy as np

NUM_EVENT_TYPES = 100000
EMBED_DIM = 16
TAU = 0.1
SEQ_LEN = 1048576


def setup_inputs(seed: int = 0) -> dict:
    key = jax.random.key(seed)
    k1, k2, k3 = jax.random.split(key, 3)
    event_trace = jax.random.randint(k1, (SEQ_LEN,), 0, NUM_EVENT_TYPES)
    is_crash = 1  # scalar python int per spec shape=[]
    # learned parameters
    embed_table = jax.random.normal(k2, (NUM_EVENT_TYPES, EMBED_DIM), dtype=jnp.float32) * 0.02
    attn_w = jax.random.normal(k3, (1, EMBED_DIM), dtype=jnp.float32) * (1.0 / np.sqrt(EMBED_DIM))
    attn_b = jnp.zeros((1,), dtype=jnp.float32)
    causality_logits = jnp.zeros((NUM_EVENT_TYPES,), dtype=jnp.float32)
    return {
        "embed_table": embed_table,
        "attn_w": attn_w,
        "attn_b": attn_b,
        "causality_logits": causality_logits,
        "event_trace": event_trace,
        "is_crash": is_crash,
    }


def reference(embed_table, attn_w, attn_b, causality_logits, event_trace, is_crash):
    # embedding gather
    embeds = jnp.take(embed_table, event_trace, axis=0)  # (S, D)
    # attn_proj: Linear(D, 1)
    attn_logits = (embeds @ attn_w.T + attn_b)[:, 0]  # (S,)
    attn_weights = jax.nn.softmax(attn_logits / TAU, axis=0)  # (S,)
    causality_probs = jax.nn.sigmoid(causality_logits)  # (V,)
    # scatter-add attention mass per event type (segment reduce over types)
    type_attention = jnp.zeros((NUM_EVENT_TYPES,), dtype=attn_weights.dtype).at[event_trace].add(attn_weights)
    # sum over types present in trace; type_attention is exactly zero for absent
    # types, so summing over all types equals the torch unique-indexed sum.
    explained = jnp.sum(type_attention * causality_probs)
    explained = jnp.clip(explained, 0.0, 1.0)
    contradiction = jnp.where(
        is_crash > 0.5,
        jax.nn.relu(1.0 - explained),
        jax.nn.relu(explained),
    )
    return contradiction

if __name__ == "__main__":
    import jax
    _d = setup_inputs()
    print(jax.jit(kernel)(*tuple(_d.values())))

</pallas_src>

<mosaic_0001>
#map = affine_map<(d0, d1) -> (0)>
#map1 = affine_map<(d0, d1) -> (0, 0)>
module attributes {stable_mosaic.version = 14 : i64} {
  func.func @_sc_main(%arg0: i32, %arg1: i32, %arg2: memref<100096xi32, #tpu.memory_space<hbm>>, %arg3: memref<1048576xi32, #tpu.memory_space<hbm>>, %arg4: memref<32x32xf32, #tpu.memory_space<hbm>>, %arg5: memref<100096xi32, #tpu.memory_space<vmem>>, %arg6: memref<8192xi32, #tpu.memory_space<vmem>>, %arg7: memref<8192xi32, #tpu.memory_space<vmem>>, %arg8: memref<32xf32, #tpu.memory_space<vmem>>, %arg9: memref<100096xi32, #tpu.memory_space<vmem_shared>>, %arg10: memref<!tpu.dma_semaphore, #tpu.memory_space<semaphore_mem>>, %arg11: memref<!tpu.dma_semaphore, #tpu.memory_space<semaphore_mem>>) attributes {dimension_semantics = [#tpu.dimension_semantics<core_parallel>, #tpu.dimension_semantics<subcore_parallel>], iteration_bounds = array<i64: 2, 16>, scalar_prefetch = 0 : i64, scratch_operands = 7 : i64, tpu.core_type = #tpu.core_type<sc_vector_subcore>, window_params = [{transform_indices = #map}, {transform_indices = #map}, {transform_indices = #map1}]} {
    %mul3A = arith.constant 2 : i32
    %mul3A_0 = arith.muli %arg1, %mul3A : i32
    %add3A = arith.addi %mul3A_0, %arg0 : i32
    %mul3A_1 = arith.constant 32768 : i32
    %mul3A_2 = arith.muli %add3A, %mul3A_1 : i32
    %dma_start3A = tpu.memref_slice %arg3[%mul3A_2] : memref<1048576xi32, #tpu.memory_space<hbm>> -> memref<8192xi32, #tpu.memory_space<hbm>>
    %dma_start3A_3 = tpu.memref_slice %arg3[%mul3A_2] : memref<1048576xi32, #tpu.memory_space<hbm>> -> memref<8192xi32, #tpu.memory_space<hbm>>
    tpu.enqueue_dma source(%dma_start3A_3 : memref<8192xi32, #tpu.memory_space<hbm>>) target(%arg6 : memref<8192xi32, #tpu.memory_space<vmem>>) target_semaphore(%arg10 : memref<!tpu.dma_semaphore, #tpu.memory_space<semaphore_mem>>)
    %mul3A_4 = arith.constant 6256 : i32
    %mul3A_5 = arith.muli %arg1, %mul3A_4 : i32
    "tpu.region"() ({
      %run_scoped3A = tpu.sem_alloc : memref<!tpu.dma_semaphore, #tpu.memory_space<semaphore_mem>>
      %dma_start3A_58 = tpu.memref_slice %arg5[%mul3A_5] : memref<100096xi32, #tpu.memory_space<vmem>> -> memref<6256xi32, #tpu.memory_space<vmem>>
      %dma_start3A_59 = tpu.memref_slice %arg2[%mul3A_5] : memref<100096xi32, #tpu.memory_space<hbm>> -> memref<6256xi32, #tpu.memory_space<hbm>>
      %dma_start3A_60 = tpu.memref_slice %arg5[%mul3A_5] : memref<100096xi32, #tpu.memory_space<vmem>> -> memref<6256xi32, #tpu.memory_space<vmem>>
      %dma_start3A_61 = tpu.memref_slice %arg2[%mul3A_5] : memref<100096xi32, #tpu.memory_space<hbm>> -> memref<6256xi32, #tpu.memory_space<hbm>>
      tpu.enqueue_dma source(%dma_start3A_61 : memref<6256xi32, #tpu.memory_space<hbm>>) target(%dma_start3A_60 : memref<6256xi32, #tpu.memory_space<vmem>>) target_semaphore(%run_scoped3A : memref<!tpu.dma_semaphore, #tpu.memory_space<semaphore_mem>>)
      %dma_wait3A_62 = tpu.memref_slice %arg5[%mul3A_5] : memref<100096xi32, #tpu.memory_space<vmem>> -> memref<6256xi32, #tpu.memory_space<vmem>>
      %dma_wait3A_63 = tpu.memref_slice %arg2[%mul3A_5] : memref<100096xi32, #tpu.memory_space<hbm>> -> memref<6256xi32, #tpu.memory_space<hbm>>
      %dma_wait3A_64 = tpu.memref_slice %arg5[%mul3A_5] : memref<100096xi32, #tpu.memory_space<vmem>> -> memref<6256xi32, #tpu.memory_space<vmem>>
      %dma_wait3A_65 = tpu.memref_slice %arg2[%mul3A_5] : memref<100096xi32, #tpu.memory_space<hbm>> -> memref<6256xi32, #tpu.memory_space<hbm>>
      tpu.wait_dma2 semaphore(%run_scoped3A : memref<!tpu.dma_semaphore, #tpu.memory_space<semaphore_mem>>) src(%dma_wait3A_65 : memref<6256xi32, #tpu.memory_space<hbm>>) dst(%dma_wait3A_64 : memref<6256xi32, #tpu.memory_space<vmem>>)
      tpu.yield
    }) : () -> ()
    "tpu.region"() ({
      %run_scoped3A = tpu.sem_alloc : memref<!tpu.dma_semaphore, #tpu.memory_space<semaphore_mem>>
      %dma_start3A_58 = tpu.memref_slice %arg5[%mul3A_5] : memref<100096xi32, #tpu.memory_space<vmem>> -> memref<6256xi32, #tpu.memory_space<vmem>>
      %dma_start3A_59 = tpu.memref_slice %arg9[%mul3A_5] : memref<100096xi32, #tpu.memory_space<vmem_shared>> -> memref<6256xi32, #tpu.memory_space<vmem_shared>>
      %dma_start3A_60 = tpu.memref_slice %arg9[%mul3A_5] : memref<100096xi32, #tpu.memory_space<vmem_shared>> -> memref<6256xi32, #tpu.memory_space<vmem_shared>>
      %dma_start3A_61 = tpu.memref_slice %arg5[%mul3A_5] : memref<100096xi32, #tpu.memory_space<vmem>> -> memref<6256xi32, #tpu.memory_space<vmem>>
      tpu.enqueue_dma source(%dma_start3A_61 : memref<6256xi32, #tpu.memory_space<vmem>>) target(%dma_start3A_60 : memref<6256xi32, #tpu.memory_space<vmem_shared>>) target_semaphore(%run_scoped3A : memref<!tpu.dma_semaphore, #tpu.memory_space<semaphore_mem>>)
      %dma_wait3A_62 = tpu.memref_slice %arg5[%mul3A_5] : memref<100096xi32, #tpu.memory_space<vmem>> -> memref<6256xi32, #tpu.memory_space<vmem>>
      %dma_wait3A_63 = tpu.memref_slice %arg9[%mul3A_5] : memref<100096xi32, #tpu.memory_space<vmem_shared>> -> memref<6256xi32, #tpu.memory_space<vmem_shared>>
      %dma_wait3A_64 = tpu.memref_slice %arg9[%mul3A_5] : memref<100096xi32, #tpu.memory_space<vmem_shared>> -> memref<6256xi32, #tpu.memory_space<vmem_shared>>
      %dma_wait3A_65 = tpu.memref_slice %arg5[%mul3A_5] : memref<100096xi32, #tpu.memory_space<vmem>> -> memref<6256xi32, #tpu.memory_space<vmem>>
      tpu.wait_dma2 semaphore(%run_scoped3A : memref<!tpu.dma_semaphore, #tpu.memory_space<semaphore_mem>>) src(%dma_wait3A_65 : memref<6256xi32, #tpu.memory_space<vmem>>) dst(%dma_wait3A_64 : memref<6256xi32, #tpu.memory_space<vmem_shared>>)
      tpu.yield
    }) : () -> ()
    %barrier3A = arith.constant 0 : index
    tpu.barrier barrier_id(%barrier3A)
    "tpu.region"() ({
      %run_scoped3A = tpu.sem_alloc : memref<!tpu.dma_semaphore, #tpu.memory_space<semaphore_mem>>
      tpu.enqueue_dma source(%arg9 : memref<100096xi32, #tpu.memory_space<vmem_shared>>) target(%arg5 : memref<100096xi32, #tpu.memory_space<vmem>>) target_semaphore(%run_scoped3A : memref<!tpu.dma_semaphore, #tpu.memory_space<semaphore_mem>>)
      tpu.wait_dma2 semaphore(%run_scoped3A : memref<!tpu.dma_semaphore, #tpu.memory_space<semaphore_mem>>) src(%arg9 : memref<100096xi32, #tpu.memory_space<vmem_shared>>) dst(%arg5 : memref<100096xi32, #tpu.memory_space<vmem>>)
      tpu.yield
    }) : () -> ()
    %broadcast_in_dim3A = arith.constant 4095 : i32
    %broadcast_in_dim3A_6 = vector.broadcast %broadcast_in_dim3A : i32 to vector<16xi32>
    %broadcast_in_dim3A_7 = arith.constant -4096 : i32
    %broadcast_in_dim3A_8 = vector.broadcast %broadcast_in_dim3A_7 : i32 to vector<16xi32>
    %broadcast_in_dim3A_9 = arith.constant 0.000000e+00 : f32
    %broadcast_in_dim3A_10 = vector.broadcast %broadcast_in_dim3A_9 : f32 to vector<16xf32>
    %broadcast_in_dim3A_11 = arith.constant 0.000000e+00 : f32
    %broadcast_in_dim3A_12 = vector.broadcast %broadcast_in_dim3A_11 : f32 to vector<16xf32>
    %add3A_13 = arith.constant 8192 : i32
    %add3A_14 = arith.addi %mul3A_2, %add3A_13 : i32
    %dma_start3A_15 = tpu.memref_slice %arg3[%add3A_14] : memref<1048576xi32, #tpu.memory_space<hbm>> -> memref<8192xi32, #tpu.memory_space<hbm>>
    %dma_start3A_16 = tpu.memref_slice %arg3[%add3A_14] : memref<1048576xi32, #tpu.memory_space<hbm>> -> memref<8192xi32, #tpu.memory_space<hbm>>
    tpu.enqueue_dma source(%dma_start3A_16 : memref<8192xi32, #tpu.memory_space<hbm>>) target(%arg7 : memref<8192xi32, #tpu.memory_space<vmem>>) target_semaphore(%arg11 : memref<!tpu.dma_semaphore, #tpu.memory_space<semaphore_mem>>)
    %dma_wait3A = tpu.memref_slice %arg3[%mul3A_2] : memref<1048576xi32, #tpu.memory_space<hbm>> -> memref<8192xi32, #tpu.memory_space<hbm>>
    %dma_wait3A_17 = tpu.memref_slice %arg3[%mul3A_2] : memref<1048576xi32, #tpu.memory_space<hbm>> -> memref<8192xi32, #tpu.memory_space<hbm>>
    tpu.wait_dma2 semaphore(%arg10 : memref<!tpu.dma_semaphore, #tpu.memory_space<semaphore_mem>>) src(%dma_wait3A_17 : memref<8192xi32, #tpu.memory_space<hbm>>) dst(%arg6 : memref<8192xi32, #tpu.memory_space<vmem>>)
    %scan3A = arith.constant 0 : i32
    %scan3A_18 = arith.constant 64 : i32
    %scan3A_19 = arith.addi %scan3A, %scan3A_18 : i32
    %scan3A_20 = arith.constant 1 : i32
    %scan3A_21:2 = scf.for %scan3A_58 = %scan3A to %scan3A_19 step %scan3A_20 iter_args(%scan3A_59 = %broadcast_in_dim3A_10, %scan3A_60 = %broadcast_in_dim3A_12) -> (vector<16xf32>, vector<16xf32>)  : i32 {
      %mul3A_61 = arith.constant 128 : i32
      %mul3A_62 = arith.muli %scan3A_58, %mul3A_61 : i32
      %add3A_63 = arith.constant 0 : i32
      %add3A_64 = arith.addi %mul3A_62, %add3A_63 : i32
      %get3A = arith.index_cast %add3A_64 : i32 to index
      %get3A_65 = tpu.vector_load %arg6[%get3A] {strides = array<i32>} : memref<8192xi32, #tpu.memory_space<vmem>>, vector<16xi32>,
      %gather3A = tpu.vector_load_idx %arg5[%get3A_65] : memref<100096xi32, #tpu.memory_space<vmem>>[vector<16xi32>], vector<16xi32>,
      %and3A = arith.andi %gather3A, %broadcast_in_dim3A_8 : vector<16xi32>
      %bitcast3A = vector.bitcast %and3A : vector<16xi32> to vector<16xf32>
      %and3A_66 = arith.andi %gather3A, %broadcast_in_dim3A_6 : vector<16xi32>
      %convert_element_type3A = arith.sitofp %and3A_66 : vector<16xi32> to vector<16xf32>
      %add3A_67 = arith.addf %scan3A_59, %bitcast3A : vector<16xf32>
      %mul3A_68 = arith.mulf %bitcast3A, %convert_element_type3A : vector<16xf32>
      %add3A_69 = arith.addf %scan3A_60, %mul3A_68 : vector<16xf32>
      %add3A_70 = arith.constant 16 : i32
      %add3A_71 = arith.addi %mul3A_62, %add3A_70 : i32
      %get3A_72 = arith.index_cast %add3A_71 : i32 to index
      %get3A_73 = tpu.vector_load %arg6[%get3A_72] {strides = array<i32>} : memref<8192xi32, #tpu.memory_space<vmem>>, vector<16xi32>,
      %gather3A_74 = tpu.vector_load_idx %arg5[%get3A_73] : memref<100096xi32, #tpu.memory_space<vmem>>[vector<16xi32>], vector<16xi32>,
      %and3A_75 = arith.andi %gather3A_74, %broadcast_in_dim3A_8 : vector<16xi32>
      %bitcast3A_76 = vector.bitcast %and3A_75 : vector<16xi32> to vector<16xf32>
      %and3A_77 = arith.andi %gather3A_74, %broadcast_in_dim3A_6 : vector<16xi32>
      %convert_element_type3A_78 = arith.sitofp %and3A_77 : vector<16xi32> to vector<16xf32>
      %add3A_79 = arith.addf %add3A_67, %bitcast3A_76 : vector<16xf32>
      %mul3A_80 = arith.mulf %bitcast3A_76, %convert_element_type3A_78 : vector<16xf32>
      %add3A_81 = arith.addf %add3A_69, %mul3A_80 : vector<16xf32>
      %add3A_82 = arith.constant 32 : i32
      %add3A_83 = arith.addi %mul3A_62, %add3A_82 : i32
      %get3A_84 = arith.index_cast %add3A_83 : i32 to index
      %get3A_85 = tpu.vector_load %arg6[%get3A_84] {strides = array<i32>} : memref<8192xi32, #tpu.memory_space<vmem>>, vector<16xi32>,
      %gather3A_86 = tpu.vector_load_idx %arg5[%get3A_85] : memref<100096xi32, #tpu.memory_space<vmem>>[vector<16xi32>], vector<16xi32>,
      %and3A_87 = arith.andi %gather3A_86, %broadcast_in_dim3A_8 : vector<16xi32>
      %bitcast3A_88 = vector.bitcast %and3A_87 : vector<16xi32> to vector<16xf32>
      %and3A_89 = arith.andi %gather3A_86, %broadcast_in_dim3A_6 : vector<16xi32>
      %convert_element_type3A_90 = arith.sitofp %and3A_89 : vector<16xi32> to vector<16xf32>
      %add3A_91 = arith.addf %add3A_79, %bitcast3A_88 : vector<16xf32>
      %mul3A_92 = arith.mulf %bitcast3A_88, %convert_element_type3A_90 : vector<16xf32>
      %add3A_93 = arith.addf %add3A_81, %mul3A_92 : vector<16xf32>
      %add3A_94 = arith.constant 48 : i32
      %add3A_95 = arith.addi %mul3A_62, %add3A_94 : i32
      %get3A_96 = arith.index_cast %add3A_95 : i32 to index
      %get3A_97 = tpu.vector_load %arg6[%get3A_96] {strides = array<i32>} : memref<8192xi32, #tpu.memory_space<vmem>>, vector<16xi32>,
      %gather3A_98 = tpu.vector_load_idx %arg5[%get3A_97] : memref<100096xi32, #tpu.memory_space<vmem>>[vector<16xi32>], vector<16xi32>,
      %and3A_99 = arith.andi %gather3A_98, %broadcast_in_dim3A_8 : vector<16xi32>
      %bitcast3A_100 = vector.bitcast %and3A_99 : vector<16xi32> to vector<16xf32>
      %and3A_101 = arith.andi %gather3A_98, %broadcast_in_dim3A_6 : vector<16xi32>
      %convert_element_type3A_102 = arith.sitofp %and3A_101 : vector<16xi32> to vector<16xf32>
      %add3A_103 = arith.addf %add3A_91, %bitcast3A_100 : vector<16xf32>
      %mul3A_104 = arith.mulf %bitcast3A_100, %convert_element_type3A_102 : vector<16xf32>
      %add3A_105 = arith.addf %add3A_93, %mul3A_104 : vector<16xf32>
      %add3A_106 = arith.constant 64 : i32
      %add3A_107 = arith.addi %mul3A_62, %add3A_106 : i32
      %get3A_108 = arith.index_cast %add3A_107 : i32 to index
      %get3A_109 = tpu.vector_load %arg6[%get3A_108] {strides = array<i32>} : memref<8192xi32, #tpu.memory_space<vmem>>, vector<16xi32>,
      %gather3A_110 = tpu.vector_load_idx %arg5[%get3A_109] : memref<100096xi32, #tpu.memory_space<vmem>>[vector<16xi32>], vector<16xi32>,
      %and3A_111 = arith.andi %gather3A_110, %broadcast_in_dim3A_8 : vector<16xi32>
      %bitcast3A_112 = vector.bitcast %and3A_111 : vector<16xi32> to vector<16xf32>
      %and3A_113 = arith.andi %gather3A_110, %broadcast_in_dim3A_6 : vector<16xi32>
      %convert_element_type3A_114 = arith.sitofp %and3A_113 : vector<16xi32> to vector<16xf32>
      %add3A_115 = arith.addf %add3A_103, %bitcast3A_112 : vector<16xf32>
      %mul3A_116 = arith.mulf %bitcast3A_112, %convert_element_type3A_114 : vector<16xf32>
      %add3A_117 = arith.addf %add3A_105, %mul3A_116 : vector<16xf32>
      %add3A_118 = arith.constant 80 : i32
      %add3A_119 = arith.addi %mul3A_62, %add3A_118 : i32
      %get3A_120 = arith.index_cast %add3A_119 : i32 to index
      %get3A_121 = tpu.vector_load %arg6[%get3A_120] {strides = array<i32>} : memref<8192xi32, #tpu.memory_space<vmem>>, vector<16xi32>,
      %gather3A_122 = tpu.vector_load_idx %arg5[%get3A_121] : memref<100096xi32, #tpu.memory_space<vmem>>[vector<16xi32>], vector<16xi32>,
      %and3A_123 = arith.andi %gather3A_122, %broadcast_in_dim3A_8 : vector<16xi32>
      %bitcast3A_124 = vector.bitcast %and3A_123 : vector<16xi32> to vector<16xf32>
      %and3A_125 = arith.andi %gather3A_122, %broadcast_in_dim3A_6 : vector<16xi32>
      %convert_element_type3A_126 = arith.sitofp %and3A_125 : vector<16xi32> to vector<16xf32>
      %add3A_127 = arith.addf %add3A_115, %bitcast3A_124 : vector<16xf32>
      %mul3A_128 = arith.mulf %bitcast3A_124, %convert_element_type3A_126 : vector<16xf32>
      %add3A_129 = arith.addf %add3A_117, %mul3A_128 : vector<16xf32>
      %add3A_130 = arith.constant 96 : i32
      %add3A_131 = arith.addi %mul3A_62, %add3A_130 : i32
      %get3A_132 = arith.index_cast %add3A_131 : i32 to index
      %get3A_133 = tpu.vector_load %arg6[%get3A_132] {strides = array<i32>} : memref<8192xi32, #tpu.memory_space<vmem>>, vector<16xi32>,
      %gather3A_134 = tpu.vector_load_idx %arg5[%get3A_133] : memref<100096xi32, #tpu.memory_space<vmem>>[vector<16xi32>], vector<16xi32>,
      %and3A_135 = arith.andi %gather3A_134, %broadcast_in_dim3A_8 : vector<16xi32>
      %bitcast3A_136 = vector.bitcast %and3A_135 : vector<16xi32> to vector<16xf32>
      %and3A_137 = arith.andi %gather3A_134, %broadcast_in_dim3A_6 : vector<16xi32>
      %convert_element_type3A_138 = arith.sitofp %and3A_137 : vector<16xi32> to vector<16xf32>
      %add3A_139 = arith.addf %add3A_127, %bitcast3A_136 : vector<16xf32>
      %mul3A_140 = arith.mulf %bitcast3A_136, %convert_element_type3A_138 : vector<16xf32>
      %add3A_141 = arith.addf %add3A_129, %mul3A_140 : vector<16xf32>
      %add3A_142 = arith.constant 112 : i32
      %add3A_143 = arith.addi %mul3A_62, %add3A_142 : i32
      %get3A_144 = arith.index_cast %add3A_143 : i32 to index
      %get3A_145 = tpu.vector_load %arg6[%get3A_144] {strides = array<i32>} : memref<8192xi32, #tpu.memory_space<vmem>>, vector<16xi32>,
      %gather3A_146 = tpu.vector_load_idx %arg5[%get3A_145] : memref<100096xi32, #tpu.memory_space<vmem>>[vector<16xi32>], vector<16xi32>,
      %and3A_147 = arith.andi %gather3A_146, %broadcast_in_dim3A_8 : vector<16xi32>
      %bitcast3A_148 = vector.bitcast %and3A_147 : vector<16xi32> to vector<16xf32>
      %and3A_149 = arith.andi %gather3A_146, %broadcast_in_dim3A_6 : vector<16xi32>
      %convert_element_type3A_150 = arith.sitofp %and3A_149 : vector<16xi32> to vector<16xf32>
      %add3A_151 = arith.addf %add3A_139, %bitcast3A_148 : vector<16xf32>
      %mul3A_152 = arith.mulf %bitcast3A_148, %convert_element_type3A_150 : vector<16xf32>
      %add3A_153 = arith.addf %add3A_141, %mul3A_152 : vector<16xf32>
      scf.yield %add3A_151, %add3A_153 : vector<16xf32>, vector<16xf32>
    }
    %scan3A_22 = arith.constant 64 : i32
    %add3A_23 = arith.constant 16384 : i32
    %add3A_24 = arith.addi %mul3A_2, %add3A_23 : i32
    %dma_start3A_25 = tpu.memref_slice %arg3[%add3A_24] : memref<1048576xi32, #tpu.memory_space<hbm>> -> memref<8192xi32, #tpu.memory_space<hbm>>
    %dma_start3A_26 = tpu.memref_slice %arg3[%add3A_24] : memref<1048576xi32, #tpu.memory_space<hbm>> -> memref<8192xi32, #tpu.memory_space<hbm>>
    tpu.enqueue_dma source(%dma_start3A_26 : memref<8192xi32, #tpu.memory_space<hbm>>) target(%arg6 : memref<8192xi32, #tpu.memory_space<vmem>>) target_semaphore(%arg10 : memref<!tpu.dma_semaphore, #tpu.memory_space<semaphore_mem>>)
    %dma_wait3A_27 = tpu.memref_slice %arg3[%add3A_14] : memref<1048576xi32, #tpu.memory_space<hbm>> -> memref<8192xi32, #tpu.memory_space<hbm>>
    %dma_wait3A_28 = tpu.memref_slice %arg3[%add3A_14] : memref<1048576xi32, #tpu.memory_space<hbm>> -> memref<8192xi32, #tpu.memory_space<hbm>>
    tpu.wait_dma2 semaphore(%arg11 : memref<!tpu.dma_semaphore, #tpu.memory_space<semaphore_mem>>) src(%dma_wait3A_28 : memref<8192xi32, #tpu.memory_space<hbm>>) dst(%arg7 : memref<8192xi32, #tpu.memory_space<vmem>>)
    %scan3A_29 = arith.constant 0 : i32
    %scan3A_30 = arith.constant 64 : i32
    %scan3A_31 = arith.addi %scan3A_29, %scan3A_30 : i32
    %scan3A_32 = arith.constant 1 : i32
    %scan3A_33:2 = scf.for %scan3A_58 = %scan3A_29 to %scan3A_31 step %scan3A_32 iter_args(%scan3A_59 = %scan3A_21#0, %scan3A_60 = %scan3A_21#1) -> (vector<16xf32>, vector<16xf32>)  : i32 {
      %mul3A_61 = arith.constant 128 : i32
      %mul3A_62 = arith.muli %scan3A_58, %mul3A_61 : i32
      %add3A_63 = arith.constant 0 : i32
      %add3A_64 = arith.addi %mul3A_62, %add3A_63 : i32
      %get3A = arith.index_cast %add3A_64 : i32 to index
      %get3A_65 = tpu.vector_load %arg7[%get3A] {strides = array<i32>} : memref<8192xi32, #tpu.memory_space<vmem>>, vector<16xi32>,
      %gather3A = tpu.vector_load_idx %arg5[%get3A_65] : memref<100096xi32, #tpu.memory_space<vmem>>[vector<16xi32>], vector<16xi32>,
      %and3A = arith.andi %gather3A, %broadcast_in_dim3A_8 : vector<16xi32>
      %bitcast3A = vector.bitcast %and3A : vector<16xi32> to vector<16xf32>
      %and3A_66 = arith.andi %gather3A, %broadcast_in_dim3A_6 : vector<16xi32>
      %convert_element_type3A = arith.sitofp %and3A_66 : vector<16xi32> to vector<16xf32>
      %add3A_67 = arith.addf %scan3A_59, %bitcast3A : vector<16xf32>
      %mul3A_68 = arith.mulf %bitcast3A, %convert_element_type3A : vector<16xf32>
      %add3A_69 = arith.addf %scan3A_60, %mul3A_68 : vector<16xf32>
      %add3A_70 = arith.constant 16 : i32
      %add3A_71 = arith.addi %mul3A_62, %add3A_70 : i32
      %get3A_72 = arith.index_cast %add3A_71 : i32 to index
      %get3A_73 = tpu.vector_load %arg7[%get3A_72] {strides = array<i32>} : memref<8192xi32, #tpu.memory_space<vmem>>, vector<16xi32>,
      %gather3A_74 = tpu.vector_load_idx %arg5[%get3A_73] : memref<100096xi32, #tpu.memory_space<vmem>>[vector<16xi32>], vector<16xi32>,
      %and3A_75 = arith.andi %gather3A_74, %broadcast_in_dim3A_8 : vector<16xi32>
      %bitcast3A_76 = vector.bitcast %and3A_75 : vector<16xi32> to vector<16xf32>
      %and3A_77 = arith.andi %gather3A_74, %broadcast_in_dim3A_6 : vector<16xi32>
      %convert_element_type3A_78 = arith.sitofp %and3A_77 : vector<16xi32> to vector<16xf32>
      %add3A_79 = arith.addf %add3A_67, %bitcast3A_76 : vector<16xf32>
      %mul3A_80 = arith.mulf %bitcast3A_76, %convert_element_type3A_78 : vector<16xf32>
      %add3A_81 = arith.addf %add3A_69, %mul3A_80 : vector<16xf32>
      %add3A_82 = arith.constant 32 : i32
      %add3A_83 = arith.addi %mul3A_62, %add3A_82 : i32
      %get3A_84 = arith.index_cast %add3A_83 : i32 to index
      %get3A_85 = tpu.vector_load %arg7[%get3A_84] {strides = array<i32>} : memref<8192xi32, #tpu.memory_space<vmem>>, vector<16xi32>,
      %gather3A_86 = tpu.vector_load_idx %arg5[%get3A_85] : memref<100096xi32, #tpu.memory_space<vmem>>[vector<16xi32>], vector<16xi32>,
      %and3A_87 = arith.andi %gather3A_86, %broadcast_in_dim3A_8 : vector<16xi32>
      %bitcast3A_88 = vector.bitcast %and3A_87 : vector<16xi32> to vector<16xf32>
      %and3A_89 = arith.andi %gather3A_86, %broadcast_in_dim3A_6 : vector<16xi32>
      %convert_element_type3A_90 = arith.sitofp %and3A_89 : vector<16xi32> to vector<16xf32>
      %add3A_91 = arith.addf %add3A_79, %bitcast3A_88 : vector<16xf32>
      %mul3A_92 = arith.mulf %bitcast3A_88, %convert_element_type3A_90 : vector<16xf32>
      %add3A_93 = arith.addf %add3A_81, %mul3A_92 : vector<16xf32>
      %add3A_94 = arith.constant 48 : i32
      %add3A_95 = arith.addi %mul3A_62, %add3A_94 : i32
      %get3A_96 = arith.index_cast %add3A_95 : i32 to index
      %get3A_97 = tpu.vector_load %arg7[%get3A_96] {strides = array<i32>} : memref<8192xi32, #tpu.memory_space<vmem>>, vector<16xi32>,
      %gather3A_98 = tpu.vector_load_idx %arg5[%get3A_97] : memref<100096xi32, #tpu.memory_space<vmem>>[vector<16xi32>], vector<16xi32>,
      %and3A_99 = arith.andi %gather3A_98, %broadcast_in_dim3A_8 : vector<16xi32>
      %bitcast3A_100 = vector.bitcast %and3A_99 : vector<16xi32> to vector<16xf32>
      %and3A_101 = arith.andi %gather3A_98, %broadcast_in_dim3A_6 : vector<16xi32>
      %convert_element_type3A_102 = arith.sitofp %and3A_101 : vector<16xi32> to vector<16xf32>
      %add3A_103 = arith.addf %add3A_91, %bitcast3A_100 : vector<16xf32>
      %mul3A_104 = arith.mulf %bitcast3A_100, %convert_element_type3A_102 : vector<16xf32>
      %add3A_105 = arith.addf %add3A_93, %mul3A_104 : vector<16xf32>
      %add3A_106 = arith.constant 64 : i32
      %add3A_107 = arith.addi %mul3A_62, %add3A_106 : i32
      %get3A_108 = arith.index_cast %add3A_107 : i32 to index
      %get3A_109 = tpu.vector_load %arg7[%get3A_108] {strides = array<i32>} : memref<8192xi32, #tpu.memory_space<vmem>>, vector<16xi32>,
      %gather3A_110 = tpu.vector_load_idx %arg5[%get3A_109] : memref<100096xi32, #tpu.memory_space<vmem>>[vector<16xi32>], vector<16xi32>,
      %and3A_111 = arith.andi %gather3A_110, %broadcast_in_dim3A_8 : vector<16xi32>
      %bitcast3A_112 = vector.bitcast %and3A_111 : vector<16xi32> to vector<16xf32>
      %and3A_113 = arith.andi %gather3A_110, %broadcast_in_dim3A_6 : vector<16xi32>
      %convert_element_type3A_114 = arith.sitofp %and3A_113 : vector<16xi32> to vector<16xf32>
      %add3A_115 = arith.addf %add3A_103, %bitcast3A_112 : vector<16xf32>
      %mul3A_116 = arith.mulf %bitcast3A_112, %convert_element_type3A_114 : vector<16xf32>
      %add3A_117 = arith.addf %add3A_105, %mul3A_116 : vector<16xf32>
      %add3A_118 = arith.constant 80 : i32
      %add3A_119 = arith.addi %mul3A_62, %add3A_118 : i32
      %get3A_120 = arith.index_cast %add3A_119 : i32 to index
      %get3A_121 = tpu.vector_load %arg7[%get3A_120] {strides = array<i32>} : memref<8192xi32, #tpu.memory_space<vmem>>, vector<16xi32>,
      %gather3A_122 = tpu.vector_load_idx %arg5[%get3A_121] : memref<100096xi32, #tpu.memory_space<vmem>>[vector<16xi32>], vector<16xi32>,
      %and3A_123 = arith.andi %gather3A_122, %broadcast_in_dim3A_8 : vector<16xi32>
      %bitcast3A_124 = vector.bitcast %and3A_123 : vector<16xi32> to vector<16xf32>
      %and3A_125 = arith.andi %gather3A_122, %broadcast_in_dim3A_6 : vector<16xi32>
      %convert_element_type3A_126 = arith.sitofp %and3A_125 : vector<16xi32> to vector<16xf32>
      %add3A_127 = arith.addf %add3A_115, %bitcast3A_124 : vector<16xf32>
      %mul3A_128 = arith.mulf %bitcast3A_124, %convert_element_type3A_126 : vector<16xf32>
      %add3A_129 = arith.addf %add3A_117, %mul3A_128 : vector<16xf32>
      %add3A_130 = arith.constant 96 : i32
      %add3A_131 = arith.addi %mul3A_62, %add3A_130 : i32
      %get3A_132 = arith.index_cast %add3A_131 : i32 to index
      %get3A_133 = tpu.vector_load %arg7[%get3A_132] {strides = array<i32>} : memref<8192xi32, #tpu.memory_space<vmem>>, vector<16xi32>,
      %gather3A_134 = tpu.vector_load_idx %arg5[%get3A_133] : memref<100096xi32, #tpu.memory_space<vmem>>[vector<16xi32>], vector<16xi32>,
      %and3A_135 = arith.andi %gather3A_134, %broadcast_in_dim3A_8 : vector<16xi32>
      %bitcast3A_136 = vector.bitcast %and3A_135 : vector<16xi32> to vector<16xf32>
      %and3A_137 = arith.andi %gather3A_134, %broadcast_in_dim3A_6 : vector<16xi32>
      %convert_element_type3A_138 = arith.sitofp %and3A_137 : vector<16xi32> to vector<16xf32>
      %add3A_139 = arith.addf %add3A_127, %bitcast3A_136 : vector<16xf32>
      %mul3A_140 = arith.mulf %bitcast3A_136, %convert_element_type3A_138 : vector<16xf32>
      %add3A_141 = arith.addf %add3A_129, %mul3A_140 : vector<16xf32>
      %add3A_142 = arith.constant 112 : i32
      %add3A_143 = arith.addi %mul3A_62, %add3A_142 : i32
      %get3A_144 = arith.index_cast %add3A_143 : i32 to index
      %get3A_145 = tpu.vector_load %arg7[%get3A_144] {strides = array<i32>} : memref<8192xi32, #tpu.memory_space<vmem>>, vector<16xi32>,
      %gather3A_146 = tpu.vector_load_idx %arg5[%get3A_145] : memref<100096xi32, #tpu.memory_space<vmem>>[vector<16xi32>], vector<16xi32>,
      %and3A_147 = arith.andi %gather3A_146, %broadcast_in_dim3A_8 : vector<16xi32>
      %bitcast3A_148 = vector.bitcast %and3A_147 : vector<16xi32> to vector<16xf32>
      %and3A_149 = arith.andi %gather3A_146, %broadcast_in_dim3A_6 : vector<16xi32>
      %convert_element_type3A_150 = arith.sitofp %and3A_149 : vector<16xi32> to vector<16xf32>
      %add3A_151 = arith.addf %add3A_139, %bitcast3A_148 : vector<16xf32>
      %mul3A_152 = arith.mulf %bitcast3A_148, %convert_element_type3A_150 : vector<16xf32>
      %add3A_153 = arith.addf %add3A_141, %mul3A_152 : vector<16xf32>
      scf.yield %add3A_151, %add3A_153 : vector<16xf32>, vector<16xf32>
    }
    %scan3A_34 = arith.constant 64 : i32
    %add3A_35 = arith.constant 24576 : i32
    %add3A_36 = arith.addi %mul3A_2, %add3A_35 : i32
    %dma_start3A_37 = tpu.memref_slice %arg3[%add3A_36] : memref<1048576xi32, #tpu.memory_space<hbm>> -> memref<8192xi32, #tpu.memory_space<hbm>>
    %dma_start3A_38 = tpu.memref_slice %arg3[%add3A_36] : memref<1048576xi32, #tpu.memory_space<hbm>> -> memref<8192xi32, #tpu.memory_space<hbm>>
    tpu.enqueue_dma source(%dma_start3A_38 : memref<8192xi32, #tpu.memory_space<hbm>>) target(%arg7 : memref<8192xi32, #tpu.memory_space<vmem>>) target_semaphore(%arg11 : memref<!tpu.dma_semaphore, #tpu.memory_space<semaphore_mem>>)
    %dma_wait3A_39 = tpu.memref_slice %arg3[%add3A_24] : memref<1048576xi32, #tpu.memory_space<hbm>> -> memref<8192xi32, #tpu.memory_space<hbm>>
    %dma_wait3A_40 = tpu.memref_slice %arg3[%add3A_24] : memref<1048576xi32, #tpu.memory_space<hbm>> -> memref<8192xi32, #tpu.memory_space<hbm>>
    tpu.wait_dma2 semaphore(%arg10 : memref<!tpu.dma_semaphore, #tpu.memory_space<semaphore_mem>>) src(%dma_wait3A_40 : memref<8192xi32, #tpu.memory_space<hbm>>) dst(%arg6 : memref<8192xi32, #tpu.memory_space<vmem>>)
    %scan3A_41 = arith.constant 0 : i32
    %scan3A_42 = arith.constant 64 : i32
    %scan3A_43 = arith.addi %scan3A_41, %scan3A_42 : i32
    %scan3A_44 = arith.constant 1 : i32
    %scan3A_45:2 = scf.for %scan3A_58 = %scan3A_41 to %scan3A_43 step %scan3A_44 iter_args(%scan3A_59 = %scan3A_33#0, %scan3A_60 = %scan3A_33#1) -> (vector<16xf32>, vector<16xf32>)  : i32 {
      %mul3A_61 = arith.constant 128 : i32
      %mul3A_62 = arith.muli %scan3A_58, %mul3A_61 : i32
      %add3A_63 = arith.constant 0 : i32
      %add3A_64 = arith.addi %mul3A_62, %add3A_63 : i32
      %get3A = arith.index_cast %add3A_64 : i32 to index
      %get3A_65 = tpu.vector_load %arg6[%get3A] {strides = array<i32>} : memref<8192xi32, #tpu.memory_space<vmem>>, vector<16xi32>,
      %gather3A = tpu.vector_load_idx %arg5[%get3A_65] : memref<100096xi32, #tpu.memory_space<vmem>>[vector<16xi32>], vector<16xi32>,
      %and3A = arith.andi %gather3A, %broadcast_in_dim3A_8 : vector<16xi32>
      %bitcast3A = vector.bitcast %and3A : vector<16xi32> to vector<16xf32>
      %and3A_66 = arith.andi %gather3A, %broadcast_in_dim3A_6 : vector<16xi32>
      %convert_element_type3A = arith.sitofp %and3A_66 : vector<16xi32> to vector<16xf32>
      %add3A_67 = arith.addf %scan3A_59, %bitcast3A : vector<16xf32>
      %mul3A_68 = arith.mulf %bitcast3A, %convert_element_type3A : vector<16xf32>
      %add3A_69 = arith.addf %scan3A_60, %mul3A_68 : vector<16xf32>
      %add3A_70 = arith.constant 16 : i32
      %add3A_71 = arith.addi %mul3A_62, %add3A_70 : i32
      %get3A_72 = arith.index_cast %add3A_71 : i32 to index
      %get3A_73 = tpu.vector_load %arg6[%get3A_72] {strides = array<i32>} : memref<8192xi32, #tpu.memory_space<vmem>>, vector<16xi32>,
      %gather3A_74 = tpu.vector_load_idx %arg5[%get3A_73] : memref<100096xi32, #tpu.memory_space<vmem>>[vector<16xi32>], vector<16xi32>,
      %and3A_75 = arith.andi %gather3A_74, %broadcast_in_dim3A_8 : vector<16xi32>
      %bitcast3A_76 = vector.bitcast %and3A_75 : vector<16xi32> to vector<16xf32>
      %and3A_77 = arith.andi %gather3A_74, %broadcast_in_dim3A_6 : vector<16xi32>
      %convert_element_type3A_78 = arith.sitofp %and3A_77 : vector<16xi32> to vector<16xf32>
      %add3A_79 = arith.addf %add3A_67, %bitcast3A_76 : vector<16xf32>
      %mul3A_80 = arith.mulf %bitcast3A_76, %convert_element_type3A_78 : vector<16xf32>
      %add3A_81 = arith.addf %add3A_69, %mul3A_80 : vector<16xf32>
      %add3A_82 = arith.constant 32 : i32
      %add3A_83 = arith.addi %mul3A_62, %add3A_82 : i32
      %get3A_84 = arith.index_cast %add3A_83 : i32 to index
      %get3A_85 = tpu.vector_load %arg6[%get3A_84] {strides = array<i32>} : memref<8192xi32, #tpu.memory_space<vmem>>, vector<16xi32>,
      %gather3A_86 = tpu.vector_load_idx %arg5[%get3A_85] : memref<100096xi32, #tpu.memory_space<vmem>>[vector<16xi32>], vector<16xi32>,
      %and3A_87 = arith.andi %gather3A_86, %broadcast_in_dim3A_8 : vector<16xi32>
      %bitcast3A_88 = vector.bitcast %and3A_87 : vector<16xi32> to vector<16xf32>
      %and3A_89 = arith.andi %gather3A_86, %broadcast_in_dim3A_6 : vector<16xi32>
      %convert_element_type3A_90 = arith.sitofp %and3A_89 : vector<16xi32> to vector<16xf32>
      %add3A_91 = arith.addf %add3A_79, %bitcast3A_88 : vector<16xf32>
      %mul3A_92 = arith.mulf %bitcast3A_88, %convert_element_type3A_90 : vector<16xf32>
      %add3A_93 = arith.addf %add3A_81, %mul3A_92 : vector<16xf32>
      %add3A_94 = arith.constant 48 : i32
      %add3A_95 = arith.addi %mul3A_62, %add3A_94 : i32
      %get3A_96 = arith.index_cast %add3A_95 : i32 to index
      %get3A_97 = tpu.vector_load %arg6[%get3A_96] {strides = array<i32>} : memref<8192xi32, #tpu.memory_space<vmem>>, vector<16xi32>,
      %gather3A_98 = tpu.vector_load_idx %arg5[%get3A_97] : memref<100096xi32, #tpu.memory_space<vmem>>[vector<16xi32>], vector<16xi32>,
      %and3A_99 = arith.andi %gather3A_98, %broadcast_in_dim3A_8 : vector<16xi32>
      %bitcast3A_100 = vector.bitcast %and3A_99 : vector<16xi32> to vector<16xf32>
      %and3A_101 = arith.andi %gather3A_98, %broadcast_in_dim3A_6 : vector<16xi32>
      %convert_element_type3A_102 = arith.sitofp %and3A_101 : vector<16xi32> to vector<16xf32>
      %add3A_103 = arith.addf %add3A_91, %bitcast3A_100 : vector<16xf32>
      %mul3A_104 = arith.mulf %bitcast3A_100, %convert_element_type3A_102 : vector<16xf32>
      %add3A_105 = arith.addf %add3A_93, %mul3A_104 : vector<16xf32>
      %add3A_106 = arith.constant 64 : i32
      %add3A_107 = arith.addi %mul3A_62, %add3A_106 : i32
      %get3A_108 = arith.index_cast %add3A_107 : i32 to index
      %get3A_109 = tpu.vector_load %arg6[%get3A_108] {strides = array<i32>} : memref<8192xi32, #tpu.memory_space<vmem>>, vector<16xi32>,
      %gather3A_110 = tpu.vector_load_idx %arg5[%get3A_109] : memref<100096xi32, #tpu.memory_space<vmem>>[vector<16xi32>], vector<16xi32>,
      %and3A_111 = arith.andi %gather3A_110, %broadcast_in_dim3A_8 : vector<16xi32>
      %bitcast3A_112 = vector.bitcast %and3A_111 : vector<16xi32> to vector<16xf32>
      %and3A_113 = arith.andi %gather3A_110, %broadcast_in_dim3A_6 : vector<16xi32>
      %convert_element_type3A_114 = arith.sitofp %and3A_113 : vector<16xi32> to vector<16xf32>
      %add3A_115 = arith.addf %add3A_103, %bitcast3A_112 : vector<16xf32>
      %mul3A_116 = arith.mulf %bitcast3A_112, %convert_element_type3A_114 : vector<16xf32>
      %add3A_117 = arith.addf %add3A_105, %mul3A_116 : vector<16xf32>
      %add3A_118 = arith.constant 80 : i32
      %add3A_119 = arith.addi %mul3A_62, %add3A_118 : i32
      %get3A_120 = arith.index_cast %add3A_119 : i32 to index
      %get3A_121 = tpu.vector_load %arg6[%get3A_120] {strides = array<i32>} : memref<8192xi32, #tpu.memory_space<vmem>>, vector<16xi32>,
      %gather3A_122 = tpu.vector_load_idx %arg5[%get3A_121] : memref<100096xi32, #tpu.memory_space<vmem>>[vector<16xi32>], vector<16xi32>,
      %and3A_123 = arith.andi %gather3A_122, %broadcast_in_dim3A_8 : vector<16xi32>
      %bitcast3A_124 = vector.bitcast %and3A_123 : vector<16xi32> to vector<16xf32>
      %and3A_125 = arith.andi %gather3A_122, %broadcast_in_dim3A_6 : vector<16xi32>
      %convert_element_type3A_126 = arith.sitofp %and3A_125 : vector<16xi32> to vector<16xf32>
      %add3A_127 = arith.addf %add3A_115, %bitcast3A_124 : vector<16xf32>
      %mul3A_128 = arith.mulf %bitcast3A_124, %convert_element_type3A_126 : vector<16xf32>
      %add3A_129 = arith.addf %add3A_117, %mul3A_128 : vector<16xf32>
      %add3A_130 = arith.constant 96 : i32
      %add3A_131 = arith.addi %mul3A_62, %add3A_130 : i32
      %get3A_132 = arith.index_cast %add3A_131 : i32 to index
      %get3A_133 = tpu.vector_load %arg6[%get3A_132] {strides = array<i32>} : memref<8192xi32, #tpu.memory_space<vmem>>, vector<16xi32>,
      %gather3A_134 = tpu.vector_load_idx %arg5[%get3A_133] : memref<100096xi32, #tpu.memory_space<vmem>>[vector<16xi32>], vector<16xi32>,
      %and3A_135 = arith.andi %gather3A_134, %broadcast_in_dim3A_8 : vector<16xi32>
      %bitcast3A_136 = vector.bitcast %and3A_135 : vector<16xi32> to vector<16xf32>
      %and3A_137 = arith.andi %gather3A_134, %broadcast_in_dim3A_6 : vector<16xi32>
      %convert_element_type3A_138 = arith.sitofp %and3A_137 : vector<16xi32> to vector<16xf32>
      %add3A_139 = arith.addf %add3A_127, %bitcast3A_136 : vector<16xf32>
      %mul3A_140 = arith.mulf %bitcast3A_136, %convert_element_type3A_138 : vector<16xf32>
      %add3A_141 = arith.addf %add3A_129, %mul3A_140 : vector<16xf32>
      %add3A_142 = arith.constant 112 : i32
      %add3A_143 = arith.addi %mul3A_62, %add3A_142 : i32
      %get3A_144 = arith.index_cast %add3A_143 : i32 to index
      %get3A_145 = tpu.vector_load %arg6[%get3A_144] {strides = array<i32>} : memref<8192xi32, #tpu.memory_space<vmem>>, vector<16xi32>,
      %gather3A_146 = tpu.vector_load_idx %arg5[%get3A_145] : memref<100096xi32, #tpu.memory_space<vmem>>[vector<16xi32>], vector<16xi32>,
      %and3A_147 = arith.andi %gather3A_146, %broadcast_in_dim3A_8 : vector<16xi32>
      %bitcast3A_148 = vector.bitcast %and3A_147 : vector<16xi32> to vector<16xf32>
      %and3A_149 = arith.andi %gather3A_146, %broadcast_in_dim3A_6 : vector<16xi32>
      %convert_element_type3A_150 = arith.sitofp %and3A_149 : vector<16xi32> to vector<16xf32>
      %add3A_151 = arith.addf %add3A_139, %bitcast3A_148 : vector<16xf32>
      %mul3A_152 = arith.mulf %bitcast3A_148, %convert_element_type3A_150 : vector<16xf32>
      %add3A_153 = arith.addf %add3A_141, %mul3A_152 : vector<16xf32>
      scf.yield %add3A_151, %add3A_153 : vector<16xf32>, vector<16xf32>
    }
    %scan3A_46 = arith.constant 64 : i32
    %dma_wait3A_47 = tpu.memref_slice %arg3[%add3A_36] : memref<1048576xi32, #tpu.memory_space<hbm>> -> memref<8192xi32, #tpu.memory_space<hbm>>
    %dma_wait3A_48 = tpu.memref_slice %arg3[%add3A_36] : memref<1048576xi32, #tpu.memory_space<hbm>> -> memref<8192xi32, #tpu.memory_space<hbm>>
    tpu.wait_dma2 semaphore(%arg11 : memref<!tpu.dma_semaphore, #tpu.memory_space<semaphore_mem>>) src(%dma_wait3A_48 : memref<8192xi32, #tpu.memory_space<hbm>>) dst(%arg7 : memref<8192xi32, #tpu.memory_space<vmem>>)
    %scan3A_49 = arith.constant 0 : i32
    %scan3A_50 = arith.constant 64 : i32
    %scan3A_51 = arith.addi %scan3A_49, %scan3A_50 : i32
    %scan3A_52 = arith.constant 1 : i32
    %scan3A_53:2 = scf.for %scan3A_58 = %scan3A_49 to %scan3A_51 step %scan3A_52 iter_args(%scan3A_59 = %scan3A_45#0, %scan3A_60 = %scan3A_45#1) -> (vector<16xf32>, vector<16xf32>)  : i32 {
      %mul3A_61 = arith.constant 128 : i32
      %mul3A_62 = arith.muli %scan3A_58, %mul3A_61 : i32
      %add3A_63 = arith.constant 0 : i32
      %add3A_64 = arith.addi %mul3A_62, %add3A_63 : i32
      %get3A = arith.index_cast %add3A_64 : i32 to index
      %get3A_65 = tpu.vector_load %arg7[%get3A] {strides = array<i32>} : memref<8192xi32, #tpu.memory_space<vmem>>, vector<16xi32>,
      %gather3A = tpu.vector_load_idx %arg5[%get3A_65] : memref<100096xi32, #tpu.memory_space<vmem>>[vector<16xi32>], vector<16xi32>,
      %and3A = arith.andi %gather3A, %broadcast_in_dim3A_8 : vector<16xi32>
      %bitcast3A = vector.bitcast %and3A : vector<16xi32> to vector<16xf32>
      %and3A_66 = arith.andi %gather3A, %broadcast_in_dim3A_6 : vector<16xi32>
      %convert_element_type3A = arith.sitofp %and3A_66 : vector<16xi32> to vector<16xf32>
      %add3A_67 = arith.addf %scan3A_59, %bitcast3A : vector<16xf32>
      %mul3A_68 = arith.mulf %bitcast3A, %convert_element_type3A : vector<16xf32>
      %add3A_69 = arith.addf %scan3A_60, %mul3A_68 : vector<16xf32>
      %add3A_70 = arith.constant 16 : i32
      %add3A_71 = arith.addi %mul3A_62, %add3A_70 : i32
      %get3A_72 = arith.index_cast %add3A_71 : i32 to index
      %get3A_73 = tpu.vector_load %arg7[%get3A_72] {strides = array<i32>} : memref<8192xi32, #tpu.memory_space<vmem>>, vector<16xi32>,
      %gather3A_74 = tpu.vector_load_idx %arg5[%get3A_73] : memref<100096xi32, #tpu.memory_space<vmem>>[vector<16xi32>], vector<16xi32>,
      %and3A_75 = arith.andi %gather3A_74, %broadcast_in_dim3A_8 : vector<16xi32>
      %bitcast3A_76 = vector.bitcast %and3A_75 : vector<16xi32> to vector<16xf32>
      %and3A_77 = arith.andi %gather3A_74, %broadcast_in_dim3A_6 : vector<16xi32>
      %convert_element_type3A_78 = arith.sitofp %and3A_77 : vector<16xi32> to vector<16xf32>
      %add3A_79 = arith.addf %add3A_67, %bitcast3A_76 : vector<16xf32>
      %mul3A_80 = arith.mulf %bitcast3A_76, %convert_element_type3A_78 : vector<16xf32>
      %add3A_81 = arith.addf %add3A_69, %mul3A_80 : vector<16xf32>
      %add3A_82 = arith.constant 32 : i32
      %add3A_83 = arith.addi %mul3A_62, %add3A_82 : i32
      %get3A_84 = arith.index_cast %add3A_83 : i32 to index
      %get3A_85 = tpu.vector_load %arg7[%get3A_84] {strides = array<i32>} : memref<8192xi32, #tpu.memory_space<vmem>>, vector<16xi32>,
      %gather3A_86 = tpu.vector_load_idx %arg5[%get3A_85] : memref<100096xi32, #tpu.memory_space<vmem>>[vector<16xi32>], vector<16xi32>,
      %and3A_87 = arith.andi %gather3A_86, %broadcast_in_dim3A_8 : vector<16xi32>
      %bitcast3A_88 = vector.bitcast %and3A_87 : vector<16xi32> to vector<16xf32>
      %and3A_89 = arith.andi %gather3A_86, %broadcast_in_dim3A_6 : vector<16xi32>
      %convert_element_type3A_90 = arith.sitofp %and3A_89 : vector<16xi32> to vector<16xf32>
      %add3A_91 = arith.addf %add3A_79, %bitcast3A_88 : vector<16xf32>
      %mul3A_92 = arith.mulf %bitcast3A_88, %convert_element_type3A_90 : vector<16xf32>
      %add3A_93 = arith.addf %add3A_81, %mul3A_92 : vector<16xf32>
      %add3A_94 = arith.constant 48 : i32
      %add3A_95 = arith.addi %mul3A_62, %add3A_94 : i32
      %get3A_96 = arith.index_cast %add3A_95 : i32 to index
      %get3A_97 = tpu.vector_load %arg7[%get3A_96] {strides = array<i32>} : memref<8192xi32, #tpu.memory_space<vmem>>, vector<16xi32>,
      %gather3A_98 = tpu.vector_load_idx %arg5[%get3A_97] : memref<100096xi32, #tpu.memory_space<vmem>>[vector<16xi32>], vector<16xi32>,
      %and3A_99 = arith.andi %gather3A_98, %broadcast_in_dim3A_8 : vector<16xi32>
      %bitcast3A_100 = vector.bitcast %and3A_99 : vector<16xi32> to vector<16xf32>
      %and3A_101 = arith.andi %gather3A_98, %broadcast_in_dim3A_6 : vector<16xi32>
      %convert_element_type3A_102 = arith.sitofp %and3A_101 : vector<16xi32> to vector<16xf32>
      %add3A_103 = arith.addf %add3A_91, %bitcast3A_100 : vector<16xf32>
      %mul3A_104 = arith.mulf %bitcast3A_100, %convert_element_type3A_102 : vector<16xf32>
      %add3A_105 = arith.addf %add3A_93, %mul3A_104 : vector<16xf32>
      %add3A_106 = arith.constant 64 : i32
      %add3A_107 = arith.addi %mul3A_62, %add3A_106 : i32
      %get3A_108 = arith.index_cast %add3A_107 : i32 to index
      %get3A_109 = tpu.vector_load %arg7[%get3A_108] {strides = array<i32>} : memref<8192xi32, #tpu.memory_space<vmem>>, vector<16xi32>,
      %gather3A_110 = tpu.vector_load_idx %arg5[%get3A_109] : memref<100096xi32, #tpu.memory_space<vmem>>[vector<16xi32>], vector<16xi32>,
      %and3A_111 = arith.andi %gather3A_110, %broadcast_in_dim3A_8 : vector<16xi32>
      %bitcast3A_112 = vector.bitcast %and3A_111 : vector<16xi32> to vector<16xf32>
      %and3A_113 = arith.andi %gather3A_110, %broadcast_in_dim3A_6 : vector<16xi32>
      %convert_element_type3A_114 = arith.sitofp %and3A_113 : vector<16xi32> to vector<16xf32>
      %add3A_115 = arith.addf %add3A_103, %bitcast3A_112 : vector<16xf32>
      %mul3A_116 = arith.mulf %bitcast3A_112, %convert_element_type3A_114 : vector<16xf32>
      %add3A_117 = arith.addf %add3A_105, %mul3A_116 : vector<16xf32>
      %add3A_118 = arith.constant 80 : i32
      %add3A_119 = arith.addi %mul3A_62, %add3A_118 : i32
      %get3A_120 = arith.index_cast %add3A_119 : i32 to index
      %get3A_121 = tpu.vector_load %arg7[%get3A_120] {strides = array<i32>} : memref<8192xi32, #tpu.memory_space<vmem>>, vector<16xi32>,
      %gather3A_122 = tpu.vector_load_idx %arg5[%get3A_121] : memref<100096xi32, #tpu.memory_space<vmem>>[vector<16xi32>], vector<16xi32>,
      %and3A_123 = arith.andi %gather3A_122, %broadcast_in_dim3A_8 : vector<16xi32>
      %bitcast3A_124 = vector.bitcast %and3A_123 : vector<16xi32> to vector<16xf32>
      %and3A_125 = arith.andi %gather3A_122, %broadcast_in_dim3A_6 : vector<16xi32>
      %convert_element_type3A_126 = arith.sitofp %and3A_125 : vector<16xi32> to vector<16xf32>
      %add3A_127 = arith.addf %add3A_115, %bitcast3A_124 : vector<16xf32>
      %mul3A_128 = arith.mulf %bitcast3A_124, %convert_element_type3A_126 : vector<16xf32>
      %add3A_129 = arith.addf %add3A_117, %mul3A_128 : vector<16xf32>
      %add3A_130 = arith.constant 96 : i32
      %add3A_131 = arith.addi %mul3A_62, %add3A_130 : i32
      %get3A_132 = arith.index_cast %add3A_131 : i32 to index
      %get3A_133 = tpu.vector_load %arg7[%get3A_132] {strides = array<i32>} : memref<8192xi32, #tpu.memory_space<vmem>>, vector<16xi32>,
      %gather3A_134 = tpu.vector_load_idx %arg5[%get3A_133] : memref<100096xi32, #tpu.memory_space<vmem>>[vector<16xi32>], vector<16xi32>,
      %and3A_135 = arith.andi %gather3A_134, %broadcast_in_dim3A_8 : vector<16xi32>
      %bitcast3A_136 = vector.bitcast %and3A_135 : vector<16xi32> to vector<16xf32>
      %and3A_137 = arith.andi %gather3A_134, %broadcast_in_dim3A_6 : vector<16xi32>
      %convert_element_type3A_138 = arith.sitofp %and3A_137 : vector<16xi32> to vector<16xf32>
      %add3A_139 = arith.addf %add3A_127, %bitcast3A_136 : vector<16xf32>
      %mul3A_140 = arith.mulf %bitcast3A_136, %convert_element_type3A_138 : vector<16xf32>
      %add3A_141 = arith.addf %add3A_129, %mul3A_140 : vector<16xf32>
      %add3A_142 = arith.constant 112 : i32
      %add3A_143 = arith.addi %mul3A_62, %add3A_142 : i32
      %get3A_144 = arith.index_cast %add3A_143 : i32 to index
      %get3A_145 = tpu.vector_load %arg7[%get3A_144] {strides = array<i32>} : memref<8192xi32, #tpu.memory_space<vmem>>, vector<16xi32>,
      %gather3A_146 = tpu.vector_load_idx %arg5[%get3A_145] : memref<100096xi32, #tpu.memory_space<vmem>>[vector<16xi32>], vector<16xi32>,
      %and3A_147 = arith.andi %gather3A_146, %broadcast_in_dim3A_8 : vector<16xi32>
      %bitcast3A_148 = vector.bitcast %and3A_147 : vector<16xi32> to vector<16xf32>
      %and3A_149 = arith.andi %gather3A_146, %broadcast_in_dim3A_6 : vector<16xi32>
      %convert_element_type3A_150 = arith.sitofp %and3A_149 : vector<16xi32> to vector<16xf32>
      %add3A_151 = arith.addf %add3A_139, %bitcast3A_148 : vector<16xf32>
      %mul3A_152 = arith.mulf %bitcast3A_148, %convert_element_type3A_150 : vector<16xf32>
      %add3A_153 = arith.addf %add3A_141, %mul3A_152 : vector<16xf32>
      scf.yield %add3A_151, %add3A_153 : vector<16xf32>, vector<16xf32>
    }
    %scan3A_54 = arith.constant 64 : i32
    %swap3A = arith.constant 0 : index
    %swap3A_55 = tpu.vector_load %arg8[%swap3A] {strides = array<i32>} : memref<32xf32, #tpu.memory_space<vmem>>, vector<16xf32>,
    tpu.vector_store %arg8[%swap3A], %scan3A_53#0 {strides = array<i32>} : memref<32xf32, #tpu.memory_space<vmem>>, vector<16xf32>,
    %swap3A_56 = arith.constant 16 : index
    %swap3A_57 = tpu.vector_load %arg8[%swap3A_56] {strides = array<i32>} : memref<32xf32, #tpu.memory_space<vmem>>, vector<16xf32>,
    tpu.vector_store %arg8[%swap3A_56], %scan3A_53#1 {strides = array<i32>} : memref<32xf32, #tpu.memory_space<vmem>>, vector<16xf32>,
    "tpu.region"() ({
      %run_scoped3A = tpu.sem_alloc : memref<!tpu.dma_semaphore, #tpu.memory_space<semaphore_mem>>
      %dma_start3A_58 = arith.constant 0 : i32
      %dma_start3A_59 = tpu.memref_slice %arg4[%add3A, %dma_start3A_58] : memref<32x32xf32, #tpu.memory_space<hbm>> -> memref<1x32xf32, #tpu.memory_space<hbm>>
      %dma_start3A_60 = tpu.memref_squeeze %dma_start3A_59 : memref<1x32xf32, #tpu.memory_space<hbm>> -> memref<32xf32, #tpu.memory_space<hbm>>
      %dma_start3A_61 = arith.constant 0 : i32
      %dma_start3A_62 = tpu.memref_slice %arg4[%add3A, %dma_start3A_61] : memref<32x32xf32, #tpu.memory_space<hbm>> -> memref<1x32xf32, #tpu.memory_space<hbm>>
      %dma_start3A_63 = tpu.memref_squeeze %dma_start3A_62 : memref<1x32xf32, #tpu.memory_space<hbm>> -> memref<32xf32, #tpu.memory_space<hbm>>
      tpu.enqueue_dma source(%arg8 : memref<32xf32, #tpu.memory_space<vmem>>) target(%dma_start3A_63 : memref<32xf32, #tpu.memory_space<hbm>>) target_semaphore(%run_scoped3A : memref<!tpu.dma_semaphore, #tpu.memory_space<semaphore_mem>>)
      %dma_wait3A_64 = arith.constant 0 : i32
      %dma_wait3A_65 = tpu.memref_slice %arg4[%add3A, %dma_wait3A_64] : memref<32x32xf32, #tpu.memory_space<hbm>> -> memref<1x32xf32, #tpu.memory_space<hbm>>
      %dma_wait3A_66 = tpu.memref_squeeze %dma_wait3A_65 : memref<1x32xf32, #tpu.memory_space<hbm>> -> memref<32xf32, #tpu.memory_space<hbm>>
      %dma_wait3A_67 = arith.constant 0 : i32
      %dma_wait3A_68 = tpu.memref_slice %arg4[%add3A, %dma_wait3A_67] : memref<32x32xf32, #tpu.memory_space<hbm>> -> memref<1x32xf32, #tpu.memory_space<hbm>>
      %dma_wait3A_69 = tpu.memref_squeeze %dma_wait3A_68 : memref<1x32xf32, #tpu.memory_space<hbm>> -> memref<32xf32, #tpu.memory_space<hbm>>
      tpu.wait_dma2 semaphore(%run_scoped3A : memref<!tpu.dma_semaphore, #tpu.memory_space<semaphore_mem>>) src(%arg8 : memref<32xf32, #tpu.memory_space<vmem>>) dst(%dma_wait3A_69 : memref<32xf32, #tpu.memory_space<hbm>>)
      tpu.yield
    }) : () -> ()
    return
  }
}

module attributes {stable_mosaic.version = 14 : i64} {
  func.func @_prep_body(%arg0: memref<16x100000xf32, #tpu.memory_space<vmem>>, %arg1: memref<1x16xf32, #tpu.memory_space<vmem>>, %arg2: memref<1x1xf32, #tpu.memory_space<vmem>>, %arg3: memref<100000xf32, #tpu.memory_space<vmem>>, %arg4: memref<100096xi32, #tpu.memory_space<vmem>>) attributes {dimension_semantics = [], scalar_prefetch = 0 : i64, scratch_operands = 0 : i64, tpu.core_type = #tpu.core_type<tc>} {
    %get3A = arith.constant 0 : index
    %get3A_0 = arith.constant 0 : index
    %get3A_1 = vector.load %arg1[%get3A, %get3A_0] : memref<1x16xf32, #tpu.memory_space<vmem>>, vector<1x16xf32>
    %get3A_2 = arith.constant 0 : index
    %get3A_3 = arith.constant 0 : index
    %get3A_4 = vector.load %arg0[%get3A_2, %get3A_3] : memref<16x100000xf32, #tpu.memory_space<vmem>>, vector<16x100000xf32>
    %dot_general3A = arith.constant dense<0.000000e+00> : vector<1x100000xf32>
    %dot_general3A_5 = tpu.matmul %get3A_1, %get3A_4, %dot_general3A {dimension_numbers = #tpu.dot_dimension_numbers<[1], [0], [0], [1], [0, 0, 1, 1], [], []>, transpose_lhs_hint = false} : vector<1x16xf32>, vector<16x100000xf32>, vector<1x100000xf32> -> vector<1x100000xf32>
    %get3A_6 = arith.constant 0 : index
    %get3A_7 = arith.constant 0 : index
    %get3A_8 = vector.load %arg2[%get3A_6, %get3A_7] : memref<1x1xf32, #tpu.memory_space<vmem>>, vector<1x1xf32>
    %add3A = vector.broadcast %get3A_8 : vector<1x1xf32> to vector<1x100000xf32>
    %add3A_9 = arith.addf %dot_general3A_5, %add3A : vector<1x100000xf32>
    %mul3A = arith.constant 1.000000e+01 : f32
    %mul3A_10 = vector.broadcast %mul3A : f32 to vector<1x100000xf32>
    %mul3A_11 = arith.mulf %add3A_9, %mul3A_10 : vector<1x100000xf32>
    %exp3A = math.exp %mul3A_11 : vector<1x100000xf32>
    %bitcast_convert_type3A = tpu.bitcast %exp3A : vector<1x100000xf32> -> vector<1x100000xi32>
    %add3A_12 = arith.constant 2048 : i32
    %add3A_13 = vector.broadcast %add3A_12 : i32 to vector<1x100000xi32>
    %add3A_14 = arith.addi %bitcast_convert_type3A, %add3A_13 : vector<1x100000xi32>
    %and3A = arith.constant -4096 : i32
    %and3A_15 = vector.broadcast %and3A : i32 to vector<1x100000xi32>
    %and3A_16 = arith.andi %add3A_14, %and3A_15 : vector<1x100000xi32>
    %get3A_17 = arith.constant 0 : index
    %get3A_18 = vector.load %arg3[%get3A_17] : memref<100000xf32, #tpu.memory_space<vmem>>, vector<100000xf32>
    %neg3A = arith.constant 0.000000e+00 : f32
    %neg3A_19 = vector.broadcast %neg3A : f32 to vector<100000xf32>
    %neg3A_20 = arith.subf %neg3A_19, %get3A_18 : vector<100000xf32>
    %exp3A_21 = math.exp %neg3A_20 : vector<100000xf32>
    %add3A_22 = arith.constant 1.000000e+00 : f32
    %add3A_23 = vector.broadcast %add3A_22 : f32 to vector<100000xf32>
    %add3A_24 = arith.addf %add3A_23, %exp3A_21 : vector<100000xf32>
    %div3A = arith.constant 1.000000e+00 : f32
    %div3A_25 = vector.broadcast %div3A : f32 to vector<100000xf32>
    %div3A_26 = arith.divf %div3A_25, %add3A_24 : vector<100000xf32>
    %mul3A_27 = arith.constant 4.095000e+03 : f32
    %mul3A_28 = vector.broadcast %mul3A_27 : f32 to vector<100000xf32>
    %mul3A_29 = arith.mulf %div3A_26, %mul3A_28 : vector<100000xf32>
    %add3A_30 = arith.constant 5.000000e-01 : f32
    %add3A_31 = vector.broadcast %add3A_30 : f32 to vector<100000xf32>
    %add3A_32 = arith.addf %mul3A_29, %add3A_31 : vector<100000xf32>
    %convert_element_type3A = arith.fptosi %add3A_32 : vector<100000xf32> to vector<100000xi32>
    %reshape3A = vector.shape_cast %and3A_16 : vector<1x100000xi32> to vector<100000xi32>
    %or3A = arith.ori %reshape3A, %convert_element_type3A : vector<100000xi32>
    %swap3A = arith.constant 0 : index
    %swap3A_33 = vector.load %arg4[%swap3A] : memref<100096xi32, #tpu.memory_space<vmem>>, vector<100000xi32>
    tpu.vector_store %arg4[%swap3A], %or3A {strides = array<i32>} : memref<100096xi32, #tpu.memory_space<vmem>>, vector<100000xi32>,
    return
  }
}

module attributes {stable_mosaic.version = 14 : i64} {
  func.func @_final_body(%arg0: memref<32x32xf32, #tpu.memory_space<vmem>>, %arg1: memref<1x1xf32, #tpu.memory_space<vmem>>, %arg2: memref<1x1xf32, #tpu.memory_space<vmem>>) attributes {dimension_semantics = [], scalar_prefetch = 0 : i64, scratch_operands = 0 : i64, tpu.core_type = #tpu.core_type<tc>} {
    %get3A = arith.constant 0 : index
    %get3A_0 = arith.constant 0 : index
    %get3A_1 = vector.load %arg0[%get3A, %get3A_0] : memref<32x32xf32, #tpu.memory_space<vmem>>, vector<32x32xf32>
    %slice3A = vector.extract_strided_slice %get3A_1 {offsets = [0, 0], sizes = [32, 16], strides = [1, 1]} : vector<32x32xf32> to vector<32x16xf32>
    %reduce_sum3A = vector.shape_cast %slice3A : vector<32x16xf32> to vector<1x32x16xf32>
    %reduce_sum3A_2 = arith.constant dense<0.000000e+00> : vector<1xf32>
    %reduce_sum3A_3 = vector.multi_reduction <add>, %reduce_sum3A, %reduce_sum3A_2 [1, 2] : vector<1x32x16xf32> to vector<1xf32>
    %reduce_sum3A_4 = vector.shape_cast %reduce_sum3A_3 : vector<1xf32> to vector<1x1x1xf32>
    %reduce_sum3A_5 = vector.extract %reduce_sum3A_4[0, 0, 0] : f32 from vector<1x1x1xf32>
    %slice3A_6 = vector.extract_strided_slice %get3A_1 {offsets = [0, 16], sizes = [32, 16], strides = [1, 1]} : vector<32x32xf32> to vector<32x16xf32>
    %reduce_sum3A_7 = vector.shape_cast %slice3A_6 : vector<32x16xf32> to vector<1x32x16xf32>
    %reduce_sum3A_8 = arith.constant dense<0.000000e+00> : vector<1xf32>
    %reduce_sum3A_9 = vector.multi_reduction <add>, %reduce_sum3A_7, %reduce_sum3A_8 [1, 2] : vector<1x32x16xf32> to vector<1xf32>
    %reduce_sum3A_10 = vector.shape_cast %reduce_sum3A_9 : vector<1xf32> to vector<1x1x1xf32>
    %reduce_sum3A_11 = vector.extract %reduce_sum3A_10[0, 0, 0] : f32 from vector<1x1x1xf32>
    %max3A = arith.constant 1.000000e-30 : f32
    %max3A_12 = arith.maximumf %reduce_sum3A_5, %max3A : f32
    %mul3A = arith.constant 4.095000e+03 : f32
    %mul3A_13 = arith.mulf %max3A_12, %mul3A : f32
    %div3A = arith.divf %reduce_sum3A_11, %mul3A_13 : f32
    %jit3A = arith.constant 0.000000e+00 : f32
    %jit3A_14 = arith.constant 1.000000e+00 : f32
    %max3A_15 = arith.maximumf %jit3A, %div3A : f32
    %min3A = arith.minimumf %jit3A_14, %max3A_15 : f32
    %get3A_16 = arith.constant 0 : index
    %get3A_17 = arith.constant 0 : index
    %get3A_18 = vector.load %arg1[%get3A_16, %get3A_17] : memref<1x1xf32, #tpu.memory_space<vmem>>, vector<1x1xf32>
    %gt3A = arith.constant 5.000000e-01 : f32
    %gt3A_19 = vector.broadcast %gt3A : f32 to vector<1x1xf32>
    %gt3A_20 = arith.cmpf ogt, %get3A_18, %gt3A_19 : vector<1x1xf32>
    %sub3A = arith.constant 1.000000e+00 : f32
    %sub3A_21 = arith.subf %sub3A, %min3A : f32
    %max3A_22 = arith.constant 0.000000e+00 : f32
    %max3A_23 = arith.maximumf %sub3A_21, %max3A_22 : f32
    %max3A_24 = arith.constant 0.000000e+00 : f32
    %max3A_25 = arith.maximumf %min3A, %max3A_24 : f32
    %broadcast_in_dim3A = vector.broadcast %max3A_23 : f32 to vector<1x1xf32>
    %broadcast_in_dim3A_26 = vector.broadcast %max3A_25 : f32 to vector<1x1xf32>
    %select_n3A = arith.select %gt3A_20, %broadcast_in_dim3A, %broadcast_in_dim3A_26 : vector<1x1xi1>, vector<1x1xf32>
    %swap3A = arith.constant 0 : index
    %swap3A_27 = arith.constant 0 : index
    %swap3A_28 = vector.load %arg2[%swap3A, %swap3A_27] : memref<1x1xf32, #tpu.memory_space<vmem>>, vector<1x1xf32>
    tpu.vector_store %arg2[%swap3A, %swap3A_27], %select_n3A {strides = array<i32>} : memref<1x1xf32, #tpu.memory_space<vmem>>, vector<1x1xf32>,
    return
  }
}

</mosaic_0001>

<sc_bundles>
// kernel: kernel.5.cloned.1.call-start
scs
__scs_entry_jumppad:
0x0: {  	(pc) =	sbr.rel $0x88, $3  }
0x1: {  	(tag) =	ssettag $0x0;
	lr =	simm.s32 $0x1  }
0x2: {  	[smem:$0x3F9B] =	sst lr;
	_ =	strace $0xD0000000  }
0x3: {  	_ = 	snop  }
0x4: {  	_ = 	snop  }
0x5: {  	_ = 	snop  }
0x6: {  	_ = 	snop  }
0x7: {  	_ = 	snop  }
__scs_overlays_trampoline_lowered:
0x8: {  	[smem:$0x3FAA] =	sst s0  }
0x9: {  	[smem:$0x3FAB] =	sst s1  }
0xa: {  	[smem:$0x3FAC] =	sst s2  }
0xb: {  	[smem:$0x3FAD] =	sst s3  }
0xc: {  	[smem:$0x3FAE] =	sst s4  }
0xd: {  	[smem:$0x3FAF] =	sst s5  }
0xe: {  	[smem:$0x3FB0] =	sst s6  }
0xf: {  	[smem:$0x3FB1] =	sst s7  }
0x10: {  	[smem:$0x3FB2] =	sst s8  }
0x11: {  	[smem:$0x3FB3] =	sst s9;
	s0 =	simm.s32 @!p0 $0x0  }
0x12: {  	s1 =	sld [smem:$0x3F99];
	s0 =	simm.s32 @p0 $0x1  }
0x13: {  	[smem:$0x3FB4] =	sst s0;
	s0 =	simm.s32 @!p1 $0x0  }
0x14: {  	s2 =	sld [smem:$0x3F98];
	s0 =	simm.s32 @p1 $0x1  }
0x15: {  	[smem:$0x3FB5] =	sst s0;
	s0 =	simm.s32 @!p2 $0x0  }
0x16: {  	s3 =	sld [smem:$0x3FDB];
	s0 =	simm.s32 @p2 $0x1  }
0x17: {  	s4 =	simm.s32 $0x1BF5;
	[smem:$0x3FB7] =	sst s0  }
0x18: {  	s0 =	sld [smem:$0x3F9A];
	_ =	swait.ge [sflag:s4], $0x0  }
0x19: {  	s7 =	sld [smem:$0x3F9B]  }
0x1a: {  	s8 =	sadd.s32 $0xFFFFE003, lr  }
0x1b: {  	s9 =	sadd.s32 $0xFFFFFEF7, lr;
	s5 =	simm.s32 $0xFFFFFFFF;
	p2 =	slt.u32 s8, $0xFFFFF086  }
0x1c: {  	p1 =	slt.u32 s9, $0xF7A;
	s5 =	simm.s32 @!p2 $0x0  }
0x1d: {  	s5 =	simm.s32 @p1 $0x1;
	p0 =	seq.s32 s7, s2  }
0x1e: {  	s7 =	smul.u32 @!p0 $0xF7A, s2;
	p2 =	seq.s32 @!p0 s5, $0x0  }
0x1f: {  	s9 =	smul.u32 $0xF7A, s1;
	s8 =	simm.s32 @!p0 $0x1BF5;
	p2 =	por !p2, p0  }
0x20: {  	[sflag:s8] =	ssyncset.s32 @!p0 $0xFFFFF086;
	s6 =	sadd.s32 @!p0 s3, s7;
	s7 =	simm.s32 @!p0 $0x108  }
0x21: {  	s3 =	sadd.s32 s3, s9;
	s6 =	sadd.s32 @!p0 $0x88, s6;
	s7 =	simm.s32 @p2 $0x1082  }
0x22: {  	[simem:s7], [sflag:s8] =	dma.local @!p0 [hbm:s6], $0xF7A  }
0x23: {  	s9 =	sor.u32 $0xD0000000, s2;
	s6 =	simm.s32 $0x108;
	_ =	swait.ge @!p0 [sflag:s8], $0x0  }
0x24: {  	s3 =	sadd.s32 $0x88, s3;
	s6 =	simm.s32 @!p1 $0x1082;
	[sflag:s4] =	ssyncset.s32 $0xFFFFF086  }
0x25: {  	[simem:s6], [sflag:s4] =	dma.local [hbm:s3], $0xF7A  }
0x26: {  	[smem:$0x3F9B] =	sst s1;
	(tag) =	ssettag s2;
	_ =	strace s9  }
0x27: {  	s1 =	sld [smem:$0x3FAB]  }
0x28: {  	s2 =	sld [smem:$0x3FAC]  }
0x29: {  	s4 =	sld [smem:$0x3FAE]  }
0x2a: {  	p0 =	seq.s32 s5, $0x0;
	s5 =	sld [smem:$0x3FAF]  }
0x2b: {  	s6 =	sld [smem:$0x3FB0]  }
0x2c: {  	s7 =	sld [smem:$0x3FB1]  }
0x2d: {  	s3 =	simm.s32 $0x108;
	s8 =	sld [smem:$0x3FB2]  }
0x2e: {  	s3 =	simm.s32 @!p0 $0x1082;
	s9 =	sld [smem:$0x3FB3]  }
0x2f: {  	lr =	sadd.s32 s0, s3;
	s0 =	sld [smem:$0x3FAA]  }
0x30: {  	s3 =	sld [smem:$0x3FAD]  }
0x31: {  	[smem:$0x3FB6] =	sst s10  }
0x32: {  	s10 =	sld [smem:$0x3FB4];
	_ =	sdelay $0x3  }
0x33: {  	p0 =	seq.s32 s10, $0x1;
	s10 =	sld [smem:$0x3FB6];
	_ =	sdelay $0x3  }
0x34: {  	[smem:$0x3FB6] =	sst s10  }
0x35: {  	s10 =	sld [smem:$0x3FB5];
	_ =	sdelay $0x3  }
0x36: {  	p1 =	seq.s32 s10, $0x1;
	s10 =	sld [smem:$0x3FB6];
	_ =	sdelay $0x3  }
0x37: {  	[smem:$0x3FB6] =	sst s10  }
0x38: {  	s10 =	sld [smem:$0x3FB7]  }
0x39: {  	_ = 	snop;
	(pc) =	sbr.ind lr, $3  }
0x3a: {  	_ = 	snop  }
0x3b: {  	_ = 	snop  }
0x3c: {  	p2 =	seq.s32 s10, $0x1;
	s10 =	sld [smem:$0x3FB6]  }
0x3d: {  	_ =	shalt  }
0x3e: {  	_ =	shalt  }
0x3f: {  	_ =	shalt  }
0x40: {  	_ =	shalt  }
0x41: {  	_ =	shalt  }
0x42: {  	_ =	shalt  }
0x43: {  	_ =	shalt  }
0x44: {  	_ =	shalt  }
0x45: {  	_ =	shalt  }
0x46: {  	_ =	shalt  }
0x47: {  	_ =	shalt  }
0x48: {  	_ =	shalt  }
0x49: {  	_ =	shalt  }
0x4a: {  	_ =	shalt  }
0x4b: {  	_ =	shalt  }
0x4c: {  	_ =	shalt  }
0x4d: {  	_ =	shalt  }
0x4e: {  	_ =	shalt  }
0x4f: {  	_ =	shalt  }
0x50: {  	_ =	shalt  }
0x51: {  	_ =	shalt  }
0x52: {  	_ =	shalt  }
0x53: {  	_ =	shalt  }
0x54: {  	_ =	shalt  }
0x55: {  	_ =	shalt  }
0x56: {  	_ =	shalt  }
0x57: {  	_ =	shalt  }
0x58: {  	_ =	shalt  }
0x59: {  	_ =	shalt  }
0x5a: {  	_ =	shalt  }
0x5b: {  	_ =	shalt  }
0x5c: {  	_ =	shalt  }
0x5d: {  	_ =	shalt  }
0x5e: {  	_ =	shalt  }
0x5f: {  	_ =	shalt  }
0x60: {  	_ =	shalt  }
0x61: {  	_ =	shalt  }
0x62: {  	_ =	shalt  }
0x63: {  	_ =	shalt  }
0x64: {  	_ =	shalt  }
0x65: {  	_ =	shalt  }
0x66: {  	_ =	shalt  }
0x67: {  	_ =	shalt  }
0x68: {  	_ =	shalt  }
0x69: {  	_ =	shalt  }
0x6a: {  	_ =	shalt  }
0x6b: {  	_ =	shalt  }
0x6c: {  	_ =	shalt  }
0x6d: {  	_ =	shalt  }
0x6e: {  	_ =	shalt  }
0x6f: {  	_ =	shalt  }
0x70: {  	_ =	shalt  }
0x71: {  	_ =	shalt  }
0x72: {  	_ =	shalt  }
0x73: {  	_ =	shalt  }
0x74: {  	_ =	shalt  }
0x75: {  	_ =	shalt  }
0x76: {  	_ =	shalt  }
0x77: {  	_ =	shalt  }
0x78: {  	_ =	shalt  }
0x79: {  	_ =	shalt  }
0x7a: {  	_ =	shalt  }
0x7b: {  	_ =	shalt  }
0x7c: {  	_ =	shalt  }
0x7d: {  	_ =	shalt  }
0x7e: {  	_ =	shalt  }
0x7f: {  	_ =	shalt  }
0x80: {  	_ =	shalt  }
0x81: {  	_ =	shalt  }
0x82: {  	_ =	shalt  }
0x83: {  	_ =	shalt  }
0x84: {  	_ =	shalt  }
0x85: {  	_ =	shalt  }
0x86: {  	_ =	shalt  }
0x87: {  	_ =	shalt  }
.Lfunc_end0:
.L_simem_size_0:
called_computation_lowered:
.L_overlay_start_0:
0x88: {  	s2 =	sld [smem:$0x3FD9]  }
0x89: {  	s3 =	sld [smem:$0x3FFE];
	_ =	sdelay $0x1  }
0x8a: {  	s1 =	srdreg.scid  }
0x8b: {  	s0 =	sand.u32 $0x1, s1  }
0x8c: {  	s17 =	sshll.u32 s0, $0xA;
	s2 =	sadd.s32 s3, s2  }
0x8d: {  	s2 =	sadd.s32 s2, s17  }
0x8e: {  	[smem:$0x3FC2] =	sst s2  }
0x8f: {  	_ = 	snop  }
0x90: {  	s2 =	sld [smem:$0x3FC5];
	(tm) =	ssettm $0x1  }
0x91: {  	s18 =	sld [smem:$0x3FFB];
	_ =	sdelay $0x3  }
0x92: {  	_ =	strace s18  }
0x93: {  	s3 =	sld [smem:$0x3FFC];
	_ =	sdelay $0x3  }
0x94: {  	_ =	strace s3  }
0x95: {  	s3 =	sld [smem:$0x3FFD];
	_ =	sdelay $0x3  }
0x96: {  	_ =	strace s3  }
0x97: {  	_ =	strace $0x8FFFFFFF  }
0x98: {  	s19 =	sld [smem:$0x3FDB];
	_ =	sdelay $0x1  }
0x99: {  	s4 =	simm.s32 $_scs_section_size  }
0x9a: {  	s5 =	simm.s32 $_size__tile_overlayer_lowered;
	s6 =	simm.s32 $_tile_overlayer_lowered  }
0x9b: {  	s22 =	simm.s32 $0x1BFF;
	s21 =	sshll.u32 s6, $0x1;
	s3 =	sadd.s32 s4, s19  }
0x9c: {  	s7 =	simm.s32 $0x0;
	s20 =	sshll.u32 s5, $0x1;
	s5 =	sadd.s32 s21, s3  }
0x9d: {  	[timem:s7], [sflag:s22] =	dma.local [hbm:s5], s20  }
0x9e: {  	_ =	swait.ge [sflag:s22], s20  }
0x9f: {  	s4 =	ssub.s32 $0x0, s20;
	[sflag:s22] =	ssyncset.done $0x0  }
0xa0: {  	[sflag:s22] =	ssyncadd.s32 s4;
	_ =	sdelay $0x1  }
0xa1: {  	s23 =	simm.s32 $0x1B8B  }
0xa2: {  	_ =	swait.ge [sflag:s23], $0x1  }
0xa3: {  	[sflag:s23] =	ssyncset.done $0x0  }
0xa4: {  	s25 =	simm.s32 $0x1B8E;
	s24 =	sld [smem:$0x3FFE];
	[sflag:s23] =	ssyncadd.s32 $0xFFFFFFFF  }
0xa5: {  	s26 =	simm.s32 $execute0_lowered;
	[smem:$0x3FD2] =	sst s25  }
0xa6: {  	s5 =	sshll.u32 s26, $0x1;
	_ =	strace $0x80000046;
	[dreg:$0x1] =	wrdreg $0xFFFFFFFF  }
0xa7: {  	s28 =	simm.s32 $_size_execute0_lowered;
	s3 =	sadd.s32 s3, s5;
	[dreg:$0x0] =	wrdreg $0x0  }
0xa8: {  	s5 =	sshll.u32 s28, $0x1;
	[dreg:$0x2] =	wrdreg s3  }
0xa9: {  	[dreg:$0x3] =	wrdreg s5  }
0xaa: {  	[dreg:$0x4] =	wrdreg $0xC0  }
0xab: {  	_ =	task [dreg:s7], $0x5FFFF  }
0xac: {  	[dreg:$0x1] =	wrdreg $0xFFFFFFFF  }
0xad: {  	[dreg:$0x0] =	wrdreg $0x60  }
0xae: {  	[dreg:$0x2] =	wrdreg s24  }
0xaf: {  	[dreg:$0x3] =	wrdreg s2  }
0xb0: {  	[dreg:$0x4] =	wrdreg $0x1C7800  }
0xb1: {  	[dreg:$0x5] =	wrdreg $0x9  }
0xb2: {  	_ =	task.clear_ibuf [dreg:s7], $0x6FFFF;
	_ =	strace $0x90000046  }
0xb3: {  	s29 =	simm.s32 $0x9;
	_ =	strace $0x80000048  }
0xb4: {  	_ =	swait.ge [sflag:s29], $0x1  }
0xb5: {  	[sflag:s29] =	ssyncadd.s32 $0xFFFFFFFF  }
0xb6: {  	_ =	strace $0x90000048  }
0xb7: {  	_ =	sfence  }
0xb8: {  	s30 =	sld [smem:$0x0];
	_ =	sdelay $0x2  }
0xb9: {  	s31 =	sshll.u32 s1, $0xD;
	s1 =	sshrl.u32 s1, $0x2  }
0xba: {  	s3 =	sand.u32 $0x4000, s31;
	s1 =	sadd.s32 s1, s30  }
0xbb: {  	s0 =	sor.u32 s3, s0;
	s1 =	sshll.u32 s1, $0x11  }
0xbc: {  	s0 =	sor.u32 s1, s0  }
0xbd: {  	s0 =	sadd.s32 $0x8F2B, s0  }
0xbe: {  	[sflag:s0] =	ssyncadd.remote.s32 $0x1  }
0xbf: {  	_ =	sfence.sel $0xFFFF  }
0xc0: {  	[dreg:$0x0] =	wrdreg $0xFFFFFFFF;
	(pc) =	sbr.abs _section_cstart, $3  }
0xc1: {  	[dreg:$0x1] =	wrdreg $0xFFFFFFFF  }
0xc2: {  	_ =	task.clear_ibuf [dreg:s7], $0x2FFFF;
	_ =	strace $0x9FFFFFFF  }
0xc3: {  	(tm) =	ssettm $0x7FFFFFFF  }
tec
execute0_lowered:
.L_overlay_start_1:
0x0: {  	(tag) =	ssettag $0x1  }
0x1: {  	s5 =	rddreg [dreg:$0x0]  }
0x2: {  	s6 =	rddreg [dreg:$0x1]  }
0x3: {  	s2 =	rddreg [dreg:$0x2]  }
0x4: {  	s0 =	rddreg [dreg:$0x3];
	s3 =	simm.s32 $0x0;
	s1 =	stileid.u32  }
0x5: {  	s7 =	srdreg.scid;
	s14 =	simm.s32 $0x3;
	s15 =	simm.s32 $0x1A700  }
0x6: {  	s16 =	simm.s32 $0x1;
	s17 =	simm.s32 $0x2;
	s18 =	simm.s32 $0x1C700  }
0x7: {  	s19 =	simm.s32 $0x0;
	[smem:$0x7FF] =	sst s3;
	s4 =	smul.u32 $0x1870, s1  }
0x8: {  	s7 =	sand.u32 $0x1, s7;
	s8 =	sshll.u32 s1, $0x1;
	_ =	strace $0x80000047  }
0x9: {  	s8 =	sor.u32 s7, s8;
	s7 =	ssub.s32 $0x2, s7;
	s9 =	sshrl.u32 s4, $0x3  }
0xa: {  	s10 =	sshll.u32 s8, $0x4;
	s11 =	sshrl.u32 s7, $0x1;
	s31 =	sshll.u32 s8, $0xC  }
0xb: {  	s9 =	sadd.s32 s9, s5;
	s12 =	sadd.s32 s10, s5;
	s13 =	ssub.s32 s7, s11  }
0xc: {  	s5 =	sadd.s32 s6, s31;
	s7 =	sadd.s32 s4, s2;
	s6 =	sadd.s32 $0xE00, s9  }
0xd: {  	s8 =	sadd.s32 $0x400, s5;
	s9 =	sadd.s32 $0x800, s5;
	s10 =	sadd.s32 $0xC00, s5  }
0xe: {  	s11 =	sadd.s32 $0x4000, s12;
	s12 =	smax.u32 s13, $0x1;
	s13 =	simm.s32 $0x18700  }
.LBB2_1:
0xf: {  	[tilespmem:s13], [sflag:$0x1] =	stream.linear.gather [hbm4b:s5+s3], $0x2000, $0x38;
	[tilespmem:$0x1DFF0] =	vst v63  }
0x10: {  	_ = 	snop  }
0x11: {  	[tilespmem:s4], [sflag:$0x3] =	stream.linear.gather [hbm4b:s6+s3], $0x1870, $0x38;
	[tilespmem:$0x1DFF0] =	vst v63  }
0x12: {  	_ =	swait.ge [sflag:s14], $0x1870  }
0x13: {  	[sflag:s14] =	ssyncset.done $0x0  }
0x14: {  	[sflag:s14] =	ssyncadd.s32 $0xFFFFE790  }
0x15: {  	[spmem:s7] =	stream.linear.scatter [tilespmem:s4], [sflag:$0x3], $0x1870, $0x38;
	[tilespmem:$0x1DFF0] =	vst v63  }
0x16: {  	_ =	swait.ge [sflag:s14], $0x1870  }
0x17: {  	[sflag:s14] =	ssyncset.done $0x0  }
0x18: {  	[sflag:s14] =	ssyncadd.s32 $0xFFFFE790  }
0x19: {  	[bflag:$0x0] =	sbarrier.arrive $0xFFFF  }
0x1a: {  	[tilespmem:s3], [sflag:$0x3] =	stream.linear.gather [spmem:s2], $0x18700, $0x38;
	[tilespmem:$0x1DFF0] =	vst v63  }
0x1b: {  	_ =	swait.ge [sflag:s14], $0x18700  }
0x1c: {  	[sflag:s14] =	ssyncset.done $0x0  }
0x1d: {  	[sflag:s14] =	ssyncadd.s32 $0xFFFE7900  }
0x1e: {  	[tilespmem:s15], [sflag:$0x2] =	stream.linear.gather [hbm4b:s8+s3], $0x2000, $0x38;
	[tilespmem:$0x1DFF0] =	vst v63  }
0x1f: {  	_ =	swait.ge [sflag:s16], $0x2000  }
0x20: {  	[sflag:s16] =	ssyncset.done $0x0  }
0x21: {  	s20 =	simm.s32 $0x0;
	[sflag:s16] =	ssyncadd.s32 $0xFFFFE000  }
0x22: {  	v0 =	vld [tilespmem:s20+$0x18700]  }
0x23: {  	v1 =	vld [tilespmem:s20+$0x18710]  }
0x24: {  	v2 =	vld [tilespmem:s20+$0x18720]  }
0x25: {  	v3 =	vld [tilespmem:s20+$0x18730]  }
0x26: {  	v4 =	vld [tilespmem:s20+$0x18740]  }
0x27: {  	v5 =	vld [tilespmem:s20+$0x18750]  }
0x28: {  	v6 =	vld [tilespmem:s20+$0x18760]  }
0x29: {  	v7 =	vld [tilespmem:s20+$0x18770]  }
0x2a: {  	s31 =	simm.s32 $0x80;
	v0 =	vld.idx.msk [tilespmem:v0+s3+$0x0], $0xffff  }
0x2b: {  	v8 =	vld [tilespmem:s31+$0x18700]  }
0x2c: {  	v1 =	vld.idx.msk [tilespmem:v1+s3+$0x0], $0xffff  }
0x2d: {  	v2 =	vld.idx.msk [tilespmem:v2+s3+$0x0], $0xffff  }
0x2e: {  	v3 =	vld.idx.msk [tilespmem:v3+s3+$0x0], $0xffff  }
0x2f: {  	v10 =	vld [tilespmem:s31+$0x18710];
	v9 =	vand.u32 $0xFFF, v0  }
0x30: {  	v4 =	vld.idx.msk [tilespmem:v4+s3+$0x0], $0xffff;
	v9 =	vcvt.s32.f32 v9  }
0x31: {  	v11 =	vimm.f32 $0.0e+00;
	v14 =	vld [tilespmem:s31+$0x18720];
	v12 =	vand.u32 $0xFFF, v1;
	v0 =	vand.u32 $0xFFFFF000, v0  }
0x32: {  	v13 =	vld.idx.msk [tilespmem:v5+s3+$0x0], $0xffff;
	v5 =	vcvt.s32.f32 v12;
	v12 =	vand.u32 $0xFFF, v2;
	v9 =	vmul.f32 v9, v0  }
0x33: {  	v17 =	vld [tilespmem:s31+$0x18730];
	v1 =	vand.u32 $0xFFFFF000, v1;
	v15 =	vand.u32 $0xFFF, v3;
	v12 =	vcvt.s32.f32 v12  }
0x34: {  	v16 =	vld.idx.msk [tilespmem:v6+s3+$0x0], $0xffff;
	v0 =	vadd.f32 v0, v11;
	v5 =	vmul.f32 v5, v1;
	v6 =	vadd.f32 v9, v11  }
0x35: {  	v18 =	vld [tilespmem:s31+$0x18740];
	v2 =	vand.u32 $0xFFFFF000, v2;
	v9 =	vcvt.s32.f32 v15;
	v11 =	vand.u32 $0xFFF, v4  }
0x36: {  	v15 =	vld.idx.msk [tilespmem:v7+s3+$0x0], $0xffff;
	v0 =	vadd.f32 v1, v0;
	v7 =	vmul.f32 v12, v2;
	v6 =	vadd.f32 v5, v6  }
0x37: {  	v3 =	vand.u32 $0xFFFFF000, v3;
	v1 =	vld.idx.msk [tilespmem:v8+s3+$0x0], $0xffff;
	v8 =	vcvt.s32.f32 v11;
	v11 =	vand.u32 $0xFFF, v13  }
0x38: {  	v5 =	vld [tilespmem:s31+$0x18750];
	v0 =	vadd.f32 v2, v0;
	v9 =	vmul.f32 v9, v3;
	v7 =	vadd.f32 v7, v6  }
0x39: {  	v4 =	vand.u32 $0xFFFFF000, v4;
	v2 =	vld.idx.msk [tilespmem:v10+s3+$0x0], $0xffff;
	v10 =	vcvt.s32.f32 v11;
	v11 =	vand.u32 $0xFFF, v16  }
0x3a: {  	v6 =	vld [tilespmem:s31+$0x18760];
	v3 =	vadd.f32 v3, v0;
	v7 =	vadd.f32 v9, v7;
	v9 =	vmul.f32 v8, v4  }
0x3b: {  	v12 =	vand.u32 $0xFFFFF000, v13;
	v16 =	vand.u32 $0xFFFFF000, v16;
	v11 =	vcvt.s32.f32 v11;
	v0 =	vld.idx.msk [tilespmem:v14+s3+$0x0], $0xffff  }
0x3c: {  	v10 =	vmul.f32 v10, v12;
	v8 =	vld [tilespmem:s31+$0x18770];
	v4 =	vadd.f32 v4, v3;
	v9 =	vadd.f32 v9, v7  }
0x3d: {  	s20 =	simm.s32 $0x100;
	v13 =	vand.u32 $0xFFF, v15;
	v14 =	vand.u32 $0xFFF, v1;
	v20 =	vmul.f32 v11, v16;
	v3 =	vld.idx.msk [tilespmem:v17+s3+$0x0], $0xffff  }
0x3e: {  	v17 =	vcvt.s32.f32 v13;
	v7 =	vld [tilespmem:s20+$0x18700];
	v13 =	vadd.f32 v12, v4;
	v19 =	vadd.f32 v10, v9  }
0x3f: {  	v11 =	vand.u32 $0xFFF, v2;
	v4 =	vld.idx.msk [tilespmem:v18+s3+$0x0], $0xffff;
	v12 =	vand.u32 $0xFFFFF000, v15;
	v10 =	vcvt.s32.f32 v14  }
0x40: {  	s21 =	simm.s32 $0x600;
	v9 =	vld [tilespmem:s20+$0x18710];
	v15 =	vadd.f32 v16, v13;
	v14 =	vmul.f32 v17, v12;
	v13 =	vadd.f32 v20, v19  }
.LBB2_2:
0x41: {  	p0 =	sne.s32 s21, $0x7E00;
	v1 =	vand.u32 $0xFFFFF000, v1;
	v11 =	vcvt.s32.f32 v11;
	v16 =	vand.u32 $0xFFF, v0;
	v17 =	vld.idx.msk [tilespmem:v5+s3+$0x0], $0xffff  }
0x42: {  	v18 =	vld [tilespmem:s20+$0x18720];
	v5 =	vmul.f32 v10, v1;
	v10 =	vadd.f32 v12, v15;
	v12 =	vadd.f32 v14, v13  }
0x43: {  	v2 =	vand.u32 $0xFFFFF000, v2;
	v13 =	vcvt.s32.f32 v16;
	v14 =	vand.u32 $0xFFF, v3;
	v15 =	vld.idx.msk [tilespmem:v6+s3+$0x0], $0xffff  }
0x44: {  	v6 =	vmul.f32 v11, v2;
	v16 =	vld [tilespmem:s20+$0x18730];
	v1 =	vadd.f32 v1, v10;
	v5 =	vadd.f32 v5, v12  }
0x45: {  	v0 =	vand.u32 $0xFFFFF000, v0;
	v10 =	vcvt.s32.f32 v14;
	v11 =	vand.u32 $0xFFF, v4;
	v12 =	vld.idx.msk [tilespmem:v8+s3+$0x0], $0xffff  }
0x46: {  	v8 =	vmul.f32 v13, v0;
	v14 =	vld [tilespmem:s20+$0x18740];
	v2 =	vadd.f32 v2, v1;
	v6 =	vadd.f32 v6, v5  }
0x47: {  	v3 =	vand.u32 $0xFFFFF000, v3;
	v1 =	vld.idx.msk [tilespmem:v7+s3+$0x0], $0xffff;
	v7 =	vcvt.s32.f32 v11;
	v11 =	vand.u32 $0xFFF, v17  }
0x48: {  	v10 =	vmul.f32 v10, v3;
	v5 =	vld [tilespmem:s20+$0x18750];
	v0 =	vadd.f32 v0, v2;
	v8 =	vadd.f32 v8, v6  }
0x49: {  	v4 =	vand.u32 $0xFFFFF000, v4;
	v2 =	vld.idx.msk [tilespmem:v9+s3+$0x0], $0xffff;
	v9 =	vcvt.s32.f32 v11;
	v11 =	vand.u32 $0xFFF, v15  }
0x4a: {  	v7 =	vmul.f32 v7, v4;
	v6 =	vld [tilespmem:s20+$0x18760];
	v3 =	vadd.f32 v3, v0;
	v10 =	vadd.f32 v10, v8  }
0x4b: {  	v13 =	vand.u32 $0xFFFFF000, v17;
	v11 =	vcvt.s32.f32 v11;
	v17 =	vand.u32 $0xFFF, v12;
	v0 =	vld.idx.msk [tilespmem:v18+s3+$0x0], $0xffff  }
.Ltmp0:
0x4c: {  	v9 =	vmul.f32 v9, v13;
	v8 =	vld [tilespmem:s20+$0x18770];
	v4 =	vadd.f32 v4, v3;
	v10 =	vadd.f32 v7, v10;
	(pc) =	sbr.rel @p0 .LBB2_2-.Ltmp0, $4  }
0x4d: {  	v15 =	vand.u32 $0xFFFFF000, v15;
	s20 =	sshra.s32 s21, $0x2;
	v18 =	vand.u32 $0xFFF, v1;
	v3 =	vld.idx.msk [tilespmem:v16+s3+$0x0], $0xffff;
	v16 =	vcvt.s32.f32 v17  }
0x4e: {  	v19 =	vmul.f32 v11, v15;
	v7 =	vld [tilespmem:s20+$0x18700];
	v13 =	vadd.f32 v13, v4;
	v17 =	vadd.f32 v9, v10  }
0x4f: {  	v12 =	vand.u32 $0xFFFFF000, v12;
	v10 =	vcvt.s32.f32 v18;
	v11 =	vand.u32 $0xFFF, v2;
	v4 =	vld.idx.msk [tilespmem:v14+s3+$0x0], $0xffff  }
0x50: {  	s21 =	sadd.s32 $0x200, s21;
	v14 =	vmul.f32 v16, v12;
	v9 =	vld [tilespmem:s20+$0x18710];
	v15 =	vadd.f32 v15, v13;
	v13 =	vadd.f32 v19, v17  }
0x51: {  	_ =	sdelay $0x3  }
0x52: {  	v5 =	vld.idx.msk [tilespmem:v5+s3+$0x0], $0xffff  }
0x53: {  	v16 =	vld [tilespmem:s20+$0x18720]  }
0x54: {  	v6 =	vld.idx.msk [tilespmem:v6+s3+$0x0], $0xffff  }
0x55: {  	v17 =	vld [tilespmem:s20+$0x18730]  }
0x56: {  	v8 =	vld.idx.msk [tilespmem:v8+s3+$0x0], $0xffff;
	v1 =	vand.u32 $0xFFFFF000, v1;
	v12 =	vadd.f32 v12, v15  }
0x57: {  	v11 =	vcvt.s32.f32 v11;
	v15 =	vld [tilespmem:s20+$0x18750];
	v10 =	vmul.f32 v10, v1;
	v13 =	vadd.f32 v14, v13  }
0x58: {  	v19 =	vand.u32 $0xFFF, v0;
	v2 =	vand.u32 $0xFFFFF000, v2;
	v14 =	vld [tilespmem:s20+$0x18760];
	v1 =	vadd.f32 v1, v12  }
0x59: {  	v11 =	vmul.f32 v11, v2;
	v12 =	vld [tilespmem:s20+$0x18770];
	v10 =	vadd.f32 v10, v13;
	v13 =	vcvt.s32.f32 v19  }
0x5a: {  	v18 =	vld [tilespmem:s20+$0x18740];
	v0 =	vand.u32 $0xFFFFF000, v0;
	v1 =	vadd.f32 v2, v1;
	v2 =	vand.u32 $0xFFF, v3  }
0x5b: {  	v7 =	vld.idx.msk [tilespmem:v7+s3+$0x0], $0xffff;
	v10 =	vadd.f32 v11, v10;
	v11 =	vmul.f32 v13, v0;
	v2 =	vcvt.s32.f32 v2  }
0x5c: {  	v9 =	vld.idx.msk [tilespmem:v9+s3+$0x0], $0xffff;
	v3 =	vand.u32 $0xFFFFF000, v3;
	v0 =	vadd.f32 v0, v1;
	v1 =	vand.u32 $0xFFF, v4  }
0x5d: {  	v10 =	vadd.f32 v11, v10;
	v13 =	vld.idx.msk [tilespmem:v16+s3+$0x0], $0xffff;
	v1 =	vcvt.s32.f32 v1;
	v2 =	vmul.f32 v2, v3  }
0x5e: {  	v4 =	vand.u32 $0xFFFFF000, v4;
	v16 =	vld.idx.msk [tilespmem:v17+s3+$0x0], $0xffff;
	v17 =	vand.u32 $0xFFF, v5;
	v0 =	vadd.f32 v3, v0  }
0x5f: {  	v3 =	vld.idx.msk [tilespmem:v15+s3+$0x0], $0xffff;
	v15 =	vcvt.s32.f32 v17;
	v2 =	vadd.f32 v2, v10;
	v1 =	vmul.f32 v1, v4  }
0x60: {  	v5 =	vand.u32 $0xFFFFF000, v5;
	v10 =	vld.idx.msk [tilespmem:v14+s3+$0x0], $0xffff;
	v14 =	vand.u32 $0xFFF, v6;
	v0 =	vadd.f32 v4, v0  }
0x61: {  	s29 =	simm.s32 $0x0;
	v4 =	vld.idx.msk [tilespmem:v12+s3+$0x0], $0xffff;
	v12 =	vcvt.s32.f32 v14;
	v1 =	vadd.f32 v1, v2;
	v2 =	vmul.f32 v15, v5  }
0x62: {  	v11 =	vld.idx.msk [tilespmem:v18+s3+$0x0], $0xffff;
	v6 =	vand.u32 $0xFFFFF000, v6;
	[tilespmem:s13], [sflag:$0x1] =	stream.linear.gather [hbm4b:s9+s29], $0x2000, $0x38;
	v14 =	vand.u32 $0xFFF, v8;
	v0 =	vadd.f32 v5, v0  }
0x63: {  	_ =	swait.ge [sflag:s17], $0x2000;
	v5 =	vcvt.s32.f32 v14;
	v1 =	vadd.f32 v2, v1;
	v2 =	vmul.f32 v12, v6  }
0x64: {  	v8 =	vand.u32 $0xFFFFF000, v8;
	[sflag:s17] =	ssyncset.done $0x0;
	v12 =	vand.u32 $0xFFF, v7;
	v0 =	vadd.f32 v6, v0  }
0x65: {  	s30 =	simm.s32 $0x0;
	[sflag:s17] =	ssyncadd.s32 $0xFFFFE000;
	v6 =	vcvt.s32.f32 v12;
	v1 =	vadd.f32 v2, v1;
	v2 =	vmul.f32 v5, v8  }
0x66: {  	v7 =	vand.u32 $0xFFFFF000, v7;
	v12 =	vand.u32 $0xFFF, v9;
	v5 =	vld [tilespmem:s30+$0x1A700];
	v0 =	vadd.f32 v8, v0  }
0x67: {  	v8 =	vcvt.s32.f32 v12;
	v6 =	vmul.f32 v6, v7;
	v1 =	vadd.f32 v2, v1  }
0x68: {  	v9 =	vand.u32 $0xFFFFF000, v9;
	v12 =	vand.u32 $0xFFF, v13;
	v2 =	vld [tilespmem:s30+$0x1A710];
	v0 =	vadd.f32 v7, v0  }
0x69: {  	v7 =	vcvt.s32.f32 v12;
	v1 =	vadd.f32 v6, v1;
	v6 =	vmul.f32 v8, v9  }
0x6a: {  	s31 =	simm.s32 $0x80;
	v13 =	vand.u32 $0xFFFFF000, v13;
	v12 =	vand.u32 $0xFFF, v16;
	v8 =	vld [tilespmem:s30+$0x1A720];
	v0 =	vadd.f32 v9, v0  }
0x6b: {  	v15 =	vld [tilespmem:s31+$0x1A720];
	v9 =	vcvt.s32.f32 v12;
	v1 =	vadd.f32 v6, v1;
	v6 =	vmul.f32 v7, v13  }
0x6c: {  	v14 =	vand.u32 $0xFFFFF000, v16;
	v12 =	vand.u32 $0xFFF, v11;
	v7 =	vld [tilespmem:s30+$0x1A730];
	v0 =	vadd.f32 v13, v0  }
0x6d: {  	v12 =	vcvt.s32.f32 v12;
	v13 =	vld [tilespmem:s30+$0x1A740];
	v1 =	vadd.f32 v6, v1;
	v6 =	vmul.f32 v9, v14  }
0x6e: {  	v11 =	vand.u32 $0xFFFFF000, v11;
	v5 =	vld.idx.msk [tilespmem:v5+s3+$0x0], $0xffff;
	v9 =	vand.u32 $0xFFF, v3;
	v0 =	vadd.f32 v14, v0  }
0x6f: {  	v14 =	vld [tilespmem:s30+$0x1A750];
	v9 =	vcvt.s32.f32 v9;
	v1 =	vadd.f32 v6, v1;
	v6 =	vmul.f32 v12, v11  }
0x70: {  	v3 =	vand.u32 $0xFFFFF000, v3;
	v2 =	vld.idx.msk [tilespmem:v2+s3+$0x0], $0xffff;
	v12 =	vand.u32 $0xFFF, v10;
	v0 =	vadd.f32 v11, v0  }
0x71: {  	v11 =	vld [tilespmem:s30+$0x1A760];
	v12 =	vcvt.s32.f32 v12;
	v1 =	vadd.f32 v6, v1;
	v6 =	vmul.f32 v9, v3  }
0x72: {  	v10 =	vand.u32 $0xFFFFF000, v10;
	v8 =	vld.idx.msk [tilespmem:v8+s3+$0x0], $0xffff;
	v9 =	vand.u32 $0xFFF, v4;
	v0 =	vadd.f32 v3, v0  }
0x73: {  	v3 =	vld [tilespmem:s30+$0x1A770];
	v9 =	vcvt.s32.f32 v9;
	v1 =	vadd.f32 v6, v1;
	v6 =	vmul.f32 v12, v10  }
0x74: {  	v4 =	vand.u32 $0xFFFFF000, v4;
	v7 =	vld.idx.msk [tilespmem:v7+s3+$0x0], $0xffff;
	v0 =	vadd.f32 v10, v0  }
0x75: {  	v10 =	vld [tilespmem:s31+$0x1A700];
	v1 =	vadd.f32 v6, v1;
	v6 =	vmul.f32 v9, v4;
	v9 =	vand.u32 $0xFFF, v5  }
0x76: {  	v12 =	vld.idx.msk [tilespmem:v13+s3+$0x0], $0xffff;
	v0 =	vadd.f32 v4, v0;
	v4 =	vcvt.s32.f32 v9  }
0x77: {  	v5 =	vand.u32 $0xFFFFF000, v5;
	v9 =	vld [tilespmem:s31+$0x1A710];
	v1 =	vadd.f32 v6, v1;
	v6 =	vand.u32 $0xFFF, v2  }
0x78: {  	v13 =	vld.idx.msk [tilespmem:v14+s3+$0x0], $0xffff;
	v14 =	vand.u32 $0xFFF, v8;
	v6 =	vcvt.s32.f32 v6;
	v4 =	vmul.f32 v4, v5  }
0x79: {  	v17 =	vld [tilespmem:s31+$0x1A730];
	v2 =	vand.u32 $0xFFFFF000, v2;
	v14 =	vcvt.s32.f32 v14;
	v16 =	vand.u32 $0xFFF, v7  }
0x7a: {  	v11 =	vld.idx.msk [tilespmem:v11+s3+$0x0], $0xffff;
	v0 =	vadd.f32 v5, v0;
	v1 =	vadd.f32 v4, v1;
	v4 =	vmul.f32 v6, v2  }
0x7b: {  	v62 =	vld [tilespmem:s31+$0x1A740];
	v5 =	vand.u32 $0xFFF, v12;
	v6 =	vand.u32 $0xFFFFF000, v8;
	v8 =	vcvt.s32.f32 v16  }
0x7c: {  	v16 =	vld.idx.msk [tilespmem:v3+s3+$0x0], $0xffff;
	v0 =	vadd.f32 v2, v0;
	v3 =	vmul.f32 v14, v6;
	v2 =	vadd.f32 v4, v1  }
0x7d: {  	v1 =	vld.idx.msk [tilespmem:v10+s3+$0x0], $0xffff;
	v4 =	vand.u32 $0xFFFFF000, v7;
	v7 =	vcvt.s32.f32 v5;
	v10 =	vand.u32 $0xFFF, v13  }
0x7e: {  	v5 =	vld [tilespmem:s31+$0x1A750];
	v0 =	vadd.f32 v6, v0;
	v8 =	vmul.f32 v8, v4;
	v3 =	vadd.f32 v3, v2  }
0x7f: {  	v10 =	vcvt.s32.f32 v10;
	v2 =	vld.idx.msk [tilespmem:v9+s3+$0x0], $0xffff;
	v9 =	vand.u32 $0xFFFFF000, v12;
	v12 =	vand.u32 $0xFFF, v11  }
0x80: {  	v6 =	vld [tilespmem:s31+$0x1A760];
	v4 =	vadd.f32 v4, v0;
	v7 =	vmul.f32 v7, v9;
	v3 =	vadd.f32 v8, v3  }
0x81: {  	v13 =	vand.u32 $0xFFFFF000, v13;
	v0 =	vld.idx.msk [tilespmem:v15+s3+$0x0], $0xffff;
	v12 =	vcvt.s32.f32 v12;
	v14 =	vand.u32 $0xFFF, v16  }
0x82: {  	v10 =	vmul.f32 v10, v13;
	v8 =	vld [tilespmem:s31+$0x1A770];
	v4 =	vadd.f32 v9, v4;
	v9 =	vadd.f32 v7, v3  }
0x83: {  	s20 =	simm.s32 $0x100;
	v14 =	vcvt.s32.f32 v14;
	v15 =	vand.u32 $0xFFF, v1;
	v3 =	vld.idx.msk [tilespmem:v17+s3+$0x0], $0xffff;
	v17 =	vand.u32 $0xFFFFF000, v11  }
0x84: {  	v7 =	vld [tilespmem:s20+$0x1A700];
	v13 =	vadd.f32 v13, v4;
	v20 =	vmul.f32 v12, v17;
	v63 =	vadd.f32 v10, v9  }
0x85: {  	v4 =	vld.idx.msk [tilespmem:v62+s3+$0x0], $0xffff;
	v11 =	vand.u32 $0xFFF, v2;
	v12 =	vand.u32 $0xFFFFF000, v16;
	v10 =	vcvt.s32.f32 v15  }
0x86: {  	s21 =	simm.s32 $0x600;
	v9 =	vld [tilespmem:s20+$0x1A710];
	v15 =	vadd.f32 v17, v13;
	v14 =	vmul.f32 v14, v12;
	v13 =	vadd.f32 v20, v63  }
.LBB2_4:
0x87: {  	p0 =	sne.s32 s21, $0x7E00;
	v1 =	vand.u32 $0xFFFFF000, v1;
	v11 =	vcvt.s32.f32 v11;
	v16 =	vand.u32 $0xFFF, v0;
	v17 =	vld.idx.msk [tilespmem:v5+s3+$0x0], $0xffff  }
0x88: {  	v18 =	vld [tilespmem:s20+$0x1A720];
	v5 =	vmul.f32 v10, v1;
	v10 =	vadd.f32 v12, v15;
	v12 =	vadd.f32 v14, v13  }
0x89: {  	v2 =	vand.u32 $0xFFFFF000, v2;
	v13 =	vcvt.s32.f32 v16;
	v14 =	vand.u32 $0xFFF, v3;
	v15 =	vld.idx.msk [tilespmem:v6+s3+$0x0], $0xffff  }
0x8a: {  	v6 =	vmul.f32 v11, v2;
	v16 =	vld [tilespmem:s20+$0x1A730];
	v1 =	vadd.f32 v1, v10;
	v5 =	vadd.f32 v5, v12  }
0x8b: {  	v0 =	vand.u32 $0xFFFFF000, v0;
	v10 =	vcvt.s32.f32 v14;
	v11 =	vand.u32 $0xFFF, v4;
	v12 =	vld.idx.msk [tilespmem:v8+s3+$0x0], $0xffff  }
0x8c: {  	v8 =	vmul.f32 v13, v0;
	v14 =	vld [tilespmem:s20+$0x1A740];
	v2 =	vadd.f32 v2, v1;
	v6 =	vadd.f32 v6, v5  }
0x8d: {  	v3 =	vand.u32 $0xFFFFF000, v3;
	v1 =	vld.idx.msk [tilespmem:v7+s3+$0x0], $0xffff;
	v7 =	vcvt.s32.f32 v11;
	v11 =	vand.u32 $0xFFF, v17  }
0x8e: {  	v10 =	vmul.f32 v10, v3;
	v5 =	vld [tilespmem:s20+$0x1A750];
	v0 =	vadd.f32 v0, v2;
	v8 =	vadd.f32 v8, v6  }
0x8f: {  	v4 =	vand.u32 $0xFFFFF000, v4;
	v2 =	vld.idx.msk [tilespmem:v9+s3+$0x0], $0xffff;
	v9 =	vcvt.s32.f32 v11;
	v11 =	vand.u32 $0xFFF, v15  }
0x90: {  	v7 =	vmul.f32 v7, v4;
	v6 =	vld [tilespmem:s20+$0x1A760];
	v3 =	vadd.f32 v3, v0;
	v10 =	vadd.f32 v10, v8  }
0x91: {  	v13 =	vand.u32 $0xFFFFF000, v17;
	v11 =	vcvt.s32.f32 v11;
	v17 =	vand.u32 $0xFFF, v12;
	v0 =	vld.idx.msk [tilespmem:v18+s3+$0x0], $0xffff  }
.Ltmp1:
0x92: {  	v9 =	vmul.f32 v9, v13;
	v8 =	vld [tilespmem:s20+$0x1A770];
	v4 =	vadd.f32 v4, v3;
	v10 =	vadd.f32 v7, v10;
	(pc) =	sbr.rel @p0 .LBB2_4-.Ltmp1, $4  }
0x93: {  	v15 =	vand.u32 $0xFFFFF000, v15;
	s20 =	sshra.s32 s21, $0x2;
	v18 =	vand.u32 $0xFFF, v1;
	v3 =	vld.idx.msk [tilespmem:v16+s3+$0x0], $0xffff;
	v16 =	vcvt.s32.f32 v17  }
0x94: {  	v19 =	vmul.f32 v11, v15;
	v7 =	vld [tilespmem:s20+$0x1A700];
	v13 =	vadd.f32 v13, v4;
	v17 =	vadd.f32 v9, v10  }
0x95: {  	v12 =	vand.u32 $0xFFFFF000, v12;
	v10 =	vcvt.s32.f32 v18;
	v11 =	vand.u32 $0xFFF, v2;
	v4 =	vld.idx.msk [tilespmem:v14+s3+$0x0], $0xffff  }
0x96: {  	s21 =	sadd.s32 $0x200, s21;
	v14 =	vmul.f32 v16, v12;
	v9 =	vld [tilespmem:s20+$0x1A710];
	v15 =	vadd.f32 v15, v13;
	v13 =	vadd.f32 v19, v17  }
0x97: {  	_ =	sdelay $0x3  }
0x98: {  	v5 =	vld.idx.msk [tilespmem:v5+s3+$0x0], $0xffff  }
0x99: {  	v16 =	vld [tilespmem:s20+$0x1A720]  }
0x9a: {  	v6 =	vld.idx.msk [tilespmem:v6+s3+$0x0], $0xffff  }
0x9b: {  	v17 =	vld [tilespmem:s20+$0x1A730]  }
0x9c: {  	v8 =	vld.idx.msk [tilespmem:v8+s3+$0x0], $0xffff;
	v1 =	vand.u32 $0xFFFFF000, v1;
	v12 =	vadd.f32 v12, v15  }
0x9d: {  	v11 =	vcvt.s32.f32 v11;
	v15 =	vld [tilespmem:s20+$0x1A750];
	v10 =	vmul.f32 v10, v1;
	v13 =	vadd.f32 v14, v13  }
0x9e: {  	v19 =	vand.u32 $0xFFF, v0;
	v2 =	vand.u32 $0xFFFFF000, v2;
	v14 =	vld [tilespmem:s20+$0x1A760];
	v1 =	vadd.f32 v1, v12  }
0x9f: {  	v11 =	vmul.f32 v11, v2;
	v12 =	vld [tilespmem:s20+$0x1A770];
	v10 =	vadd.f32 v10, v13;
	v13 =	vcvt.s32.f32 v19  }
0xa0: {  	v18 =	vld [tilespmem:s20+$0x1A740];
	v0 =	vand.u32 $0xFFFFF000, v0;
	v1 =	vadd.f32 v2, v1;
	v2 =	vand.u32 $0xFFF, v3  }
0xa1: {  	v7 =	vld.idx.msk [tilespmem:v7+s3+$0x0], $0xffff;
	v10 =	vadd.f32 v11, v10;
	v11 =	vmul.f32 v13, v0;
	v2 =	vcvt.s32.f32 v2  }
0xa2: {  	v9 =	vld.idx.msk [tilespmem:v9+s3+$0x0], $0xffff;
	v3 =	vand.u32 $0xFFFFF000, v3;
	v0 =	vadd.f32 v0, v1;
	v1 =	vand.u32 $0xFFF, v4  }
0xa3: {  	v10 =	vadd.f32 v11, v10;
	v13 =	vld.idx.msk [tilespmem:v16+s3+$0x0], $0xffff;
	v1 =	vcvt.s32.f32 v1;
	v2 =	vmul.f32 v2, v3  }
0xa4: {  	v4 =	vand.u32 $0xFFFFF000, v4;
	v16 =	vld.idx.msk [tilespmem:v17+s3+$0x0], $0xffff;
	v17 =	vand.u32 $0xFFF, v5;
	v0 =	vadd.f32 v3, v0  }
0xa5: {  	v3 =	vld.idx.msk [tilespmem:v15+s3+$0x0], $0xffff;
	v15 =	vcvt.s32.f32 v17;
	v2 =	vadd.f32 v2, v10;
	v1 =	vmul.f32 v1, v4  }
0xa6: {  	v5 =	vand.u32 $0xFFFFF000, v5;
	v10 =	vld.idx.msk [tilespmem:v14+s3+$0x0], $0xffff;
	v14 =	vand.u32 $0xFFF, v6;
	v0 =	vadd.f32 v4, v0  }
0xa7: {  	s29 =	simm.s32 $0x0;
	v4 =	vld.idx.msk [tilespmem:v12+s3+$0x0], $0xffff;
	v12 =	vcvt.s32.f32 v14;
	v1 =	vadd.f32 v1, v2;
	v2 =	vmul.f32 v15, v5  }
0xa8: {  	v11 =	vld.idx.msk [tilespmem:v18+s3+$0x0], $0xffff;
	v6 =	vand.u32 $0xFFFFF000, v6;
	[tilespmem:s15], [sflag:$0x2] =	stream.linear.gather [hbm4b:s10+s29], $0x2000, $0x38;
	v14 =	vand.u32 $0xFFF, v8;
	v0 =	vadd.f32 v5, v0  }
0xa9: {  	_ =	swait.ge [sflag:s16], $0x2000;
	v5 =	vcvt.s32.f32 v14;
	v1 =	vadd.f32 v2, v1;
	v2 =	vmul.f32 v12, v6  }
0xaa: {  	v8 =	vand.u32 $0xFFFFF000, v8;
	[sflag:s16] =	ssyncset.done $0x0;
	v12 =	vand.u32 $0xFFF, v7;
	v0 =	vadd.f32 v6, v0  }
0xab: {  	s30 =	simm.s32 $0x0;
	[sflag:s16] =	ssyncadd.s32 $0xFFFFE000;
	v6 =	vcvt.s32.f32 v12;
	v1 =	vadd.f32 v2, v1;
	v2 =	vmul.f32 v5, v8  }
0xac: {  	v7 =	vand.u32 $0xFFFFF000, v7;
	v12 =	vand.u32 $0xFFF, v9;
	v5 =	vld [tilespmem:s30+$0x18700];
	v0 =	vadd.f32 v8, v0  }
0xad: {  	v8 =	vcvt.s32.f32 v12;
	v6 =	vmul.f32 v6, v7;
	v1 =	vadd.f32 v2, v1  }
0xae: {  	v9 =	vand.u32 $0xFFFFF000, v9;
	v12 =	vand.u32 $0xFFF, v13;
	v2 =	vld [tilespmem:s30+$0x18710];
	v0 =	vadd.f32 v7, v0  }
0xaf: {  	v7 =	vcvt.s32.f32 v12;
	v1 =	vadd.f32 v6, v1;
	v6 =	vmul.f32 v8, v9  }
0xb0: {  	s31 =	simm.s32 $0x80;
	v13 =	vand.u32 $0xFFFFF000, v13;
	v12 =	vand.u32 $0xFFF, v16;
	v8 =	vld [tilespmem:s30+$0x18720];
	v0 =	vadd.f32 v9, v0  }
0xb1: {  	v15 =	vld [tilespmem:s31+$0x18720];
	v9 =	vcvt.s32.f32 v12;
	v1 =	vadd.f32 v6, v1;
	v6 =	vmul.f32 v7, v13  }
0xb2: {  	v14 =	vand.u32 $0xFFFFF000, v16;
	v12 =	vand.u32 $0xFFF, v11;
	v7 =	vld [tilespmem:s30+$0x18730];
	v0 =	vadd.f32 v13, v0  }
0xb3: {  	v12 =	vcvt.s32.f32 v12;
	v13 =	vld [tilespmem:s30+$0x18740];
	v1 =	vadd.f32 v6, v1;
	v6 =	vmul.f32 v9, v14  }
0xb4: {  	v11 =	vand.u32 $0xFFFFF000, v11;
	v5 =	vld.idx.msk [tilespmem:v5+s3+$0x0], $0xffff;
	v9 =	vand.u32 $0xFFF, v3;
	v0 =	vadd.f32 v14, v0  }
0xb5: {  	v14 =	vld [tilespmem:s30+$0x18750];
	v9 =	vcvt.s32.f32 v9;
	v1 =	vadd.f32 v6, v1;
	v6 =	vmul.f32 v12, v11  }
0xb6: {  	v3 =	vand.u32 $0xFFFFF000, v3;
	v2 =	vld.idx.msk [tilespmem:v2+s3+$0x0], $0xffff;
	v12 =	vand.u32 $0xFFF, v10;
	v0 =	vadd.f32 v11, v0  }
0xb7: {  	v11 =	vld [tilespmem:s30+$0x18760];
	v12 =	vcvt.s32.f32 v12;
	v1 =	vadd.f32 v6, v1;
	v6 =	vmul.f32 v9, v3  }
0xb8: {  	v10 =	vand.u32 $0xFFFFF000, v10;
	v8 =	vld.idx.msk [tilespmem:v8+s3+$0x0], $0xffff;
	v9 =	vand.u32 $0xFFF, v4;
	v0 =	vadd.f32 v3, v0  }
0xb9: {  	v3 =	vld [tilespmem:s30+$0x18770];
	v9 =	vcvt.s32.f32 v9;
	v1 =	vadd.f32 v6, v1;
	v6 =	vmul.f32 v12, v10  }
0xba: {  	v4 =	vand.u32 $0xFFFFF000, v4;
	v7 =	vld.idx.msk [tilespmem:v7+s3+$0x0], $0xffff;
	v0 =	vadd.f32 v10, v0  }
0xbb: {  	v10 =	vld [tilespmem:s31+$0x18700];
	v1 =	vadd.f32 v6, v1;
	v6 =	vmul.f32 v9, v4;
	v9 =	vand.u32 $0xFFF, v5  }
0xbc: {  	v12 =	vld.idx.msk [tilespmem:v13+s3+$0x0], $0xffff;
	v0 =	vadd.f32 v4, v0;
	v4 =	vcvt.s32.f32 v9  }
0xbd: {  	v5 =	vand.u32 $0xFFFFF000, v5;
	v9 =	vld [tilespmem:s31+$0x18710];
	v1 =	vadd.f32 v6, v1;
	v6 =	vand.u32 $0xFFF, v2  }
0xbe: {  	v13 =	vld.idx.msk [tilespmem:v14+s3+$0x0], $0xffff;
	v14 =	vand.u32 $0xFFF, v8;
	v6 =	vcvt.s32.f32 v6;
	v4 =	vmul.f32 v4, v5  }
0xbf: {  	v17 =	vld [tilespmem:s31+$0x18730];
	v2 =	vand.u32 $0xFFFFF000, v2;
	v14 =	vcvt.s32.f32 v14;
	v16 =	vand.u32 $0xFFF, v7  }
0xc0: {  	v11 =	vld.idx.msk [tilespmem:v11+s3+$0x0], $0xffff;
	v0 =	vadd.f32 v5, v0;
	v1 =	vadd.f32 v4, v1;
	v4 =	vmul.f32 v6, v2  }
0xc1: {  	v62 =	vld [tilespmem:s31+$0x18740];
	v5 =	vand.u32 $0xFFF, v12;
	v6 =	vand.u32 $0xFFFFF000, v8;
	v8 =	vcvt.s32.f32 v16  }
0xc2: {  	v16 =	vld.idx.msk [tilespmem:v3+s3+$0x0], $0xffff;
	v0 =	vadd.f32 v2, v0;
	v3 =	vmul.f32 v14, v6;
	v2 =	vadd.f32 v4, v1  }
0xc3: {  	v1 =	vld.idx.msk [tilespmem:v10+s3+$0x0], $0xffff;
	v4 =	vand.u32 $0xFFFFF000, v7;
	v7 =	vcvt.s32.f32 v5;
	v10 =	vand.u32 $0xFFF, v13  }
0xc4: {  	v5 =	vld [tilespmem:s31+$0x18750];
	v0 =	vadd.f32 v6, v0;
	v8 =	vmul.f32 v8, v4;
	v3 =	vadd.f32 v3, v2  }
0xc5: {  	v12 =	vand.u32 $0xFFFFF000, v12;
	v10 =	vcvt.s32.f32 v10;
	v2 =	vld.idx.msk [tilespmem:v9+s3+$0x0], $0xffff;
	v9 =	vand.u32 $0xFFF, v11  }
0xc6: {  	v6 =	vld [tilespmem:s31+$0x18760];
	v4 =	vadd.f32 v4, v0;
	v7 =	vmul.f32 v7, v12;
	v3 =	vadd.f32 v8, v3  }
0xc7: {  	v0 =	vld.idx.msk [tilespmem:v15+s3+$0x0], $0xffff;
	v14 =	vand.u32 $0xFFF, v16;
	v8 =	vand.u32 $0xFFFFF000, v13;
	v13 =	vcvt.s32.f32 v9  }
0xc8: {  	v9 =	vld [tilespmem:s31+$0x18770];
	v4 =	vadd.f32 v12, v4;
	v10 =	vmul.f32 v10, v8;
	v12 =	vadd.f32 v7, v3  }
0xc9: {  	s20 =	simm.s32 $0x100;
	v14 =	vcvt.s32.f32 v14;
	v15 =	vand.u32 $0xFFF, v1;
	v3 =	vld.idx.msk [tilespmem:v17+s3+$0x0], $0xffff;
	v17 =	vand.u32 $0xFFFFF000, v11  }
0xca: {  	v7 =	vld [tilespmem:s20+$0x18700];
	v63 =	vadd.f32 v8, v4;
	v13 =	vmul.f32 v13, v17;
	v20 =	vadd.f32 v10, v12  }
0xcb: {  	v4 =	vld.idx.msk [tilespmem:v62+s3+$0x0], $0xffff;
	v11 =	vand.u32 $0xFFF, v2;
	v10 =	vcvt.s32.f32 v15;
	v12 =	vand.u32 $0xFFFFF000, v16  }
0xcc: {  	s21 =	simm.s32 $0x600;
	v8 =	vld [tilespmem:s20+$0x18710];
	v15 =	vadd.f32 v17, v63;
	v14 =	vmul.f32 v14, v12;
	v13 =	vadd.f32 v13, v20  }
.LBB2_6:
0xcd: {  	p0 =	sne.s32 s21, $0x7E00;
	v1 =	vand.u32 $0xFFFFF000, v1;
	v11 =	vcvt.s32.f32 v11;
	v16 =	vand.u32 $0xFFF, v0;
	v17 =	vld.idx.msk [tilespmem:v5+s3+$0x0], $0xffff  }
0xce: {  	v18 =	vld [tilespmem:s20+$0x18720];
	v5 =	vmul.f32 v10, v1;
	v10 =	vadd.f32 v12, v15;
	v12 =	vadd.f32 v14, v13  }
0xcf: {  	v2 =	vand.u32 $0xFFFFF000, v2;
	v13 =	vcvt.s32.f32 v16;
	v14 =	vand.u32 $0xFFF, v3;
	v15 =	vld.idx.msk [tilespmem:v6+s3+$0x0], $0xffff  }
0xd0: {  	v6 =	vmul.f32 v11, v2;
	v16 =	vld [tilespmem:s20+$0x18730];
	v1 =	vadd.f32 v1, v10;
	v5 =	vadd.f32 v5, v12  }
0xd1: {  	v0 =	vand.u32 $0xFFFFF000, v0;
	v10 =	vcvt.s32.f32 v14;
	v11 =	vand.u32 $0xFFF, v4;
	v12 =	vld.idx.msk [tilespmem:v9+s3+$0x0], $0xffff  }
0xd2: {  	v9 =	vmul.f32 v13, v0;
	v14 =	vld [tilespmem:s20+$0x18740];
	v2 =	vadd.f32 v2, v1;
	v6 =	vadd.f32 v6, v5  }
0xd3: {  	v3 =	vand.u32 $0xFFFFF000, v3;
	v1 =	vld.idx.msk [tilespmem:v7+s3+$0x0], $0xffff;
	v7 =	vcvt.s32.f32 v11;
	v11 =	vand.u32 $0xFFF, v17  }
0xd4: {  	v10 =	vmul.f32 v10, v3;
	v5 =	vld [tilespmem:s20+$0x18750];
	v0 =	vadd.f32 v0, v2;
	v9 =	vadd.f32 v9, v6  }
0xd5: {  	v4 =	vand.u32 $0xFFFFF000, v4;
	v2 =	vld.idx.msk [tilespmem:v8+s3+$0x0], $0xffff;
	v8 =	vcvt.s32.f32 v11;
	v11 =	vand.u32 $0xFFF, v15  }
0xd6: {  	v7 =	vmul.f32 v7, v4;
	v6 =	vld [tilespmem:s20+$0x18760];
	v3 =	vadd.f32 v3, v0;
	v10 =	vadd.f32 v10, v9  }
0xd7: {  	v13 =	vand.u32 $0xFFFFF000, v17;
	v11 =	vcvt.s32.f32 v11;
	v17 =	vand.u32 $0xFFF, v12;
	v0 =	vld.idx.msk [tilespmem:v18+s3+$0x0], $0xffff  }
.Ltmp2:
0xd8: {  	v8 =	vmul.f32 v8, v13;
	v9 =	vld [tilespmem:s20+$0x18770];
	v4 =	vadd.f32 v4, v3;
	v10 =	vadd.f32 v7, v10;
	(pc) =	sbr.rel @p0 .LBB2_6-.Ltmp2, $4  }
0xd9: {  	v15 =	vand.u32 $0xFFFFF000, v15;
	s20 =	sshra.s32 s21, $0x2;
	v18 =	vand.u32 $0xFFF, v1;
	v3 =	vld.idx.msk [tilespmem:v16+s3+$0x0], $0xffff;
	v16 =	vcvt.s32.f32 v17  }
0xda: {  	v19 =	vmul.f32 v11, v15;
	v7 =	vld [tilespmem:s20+$0x18700];
	v13 =	vadd.f32 v13, v4;
	v17 =	vadd.f32 v8, v10  }
0xdb: {  	v12 =	vand.u32 $0xFFFFF000, v12;
	v10 =	vcvt.s32.f32 v18;
	v11 =	vand.u32 $0xFFF, v2;
	v4 =	vld.idx.msk [tilespmem:v14+s3+$0x0], $0xffff  }
0xdc: {  	s21 =	sadd.s32 $0x200, s21;
	v14 =	vmul.f32 v16, v12;
	v8 =	vld [tilespmem:s20+$0x18710];
	v15 =	vadd.f32 v15, v13;
	v13 =	vadd.f32 v19, v17  }
0xdd: {  	_ =	sdelay $0x3  }
0xde: {  	v5 =	vld.idx.msk [tilespmem:v5+s3+$0x0], $0xffff  }
0xdf: {  	v16 =	vld [tilespmem:s20+$0x18720]  }
0xe0: {  	v6 =	vld.idx.msk [tilespmem:v6+s3+$0x0], $0xffff  }
0xe1: {  	v17 =	vld [tilespmem:s20+$0x18730];
	v1 =	vand.u32 $0xFFFFF000, v1;
	v12 =	vadd.f32 v12, v15  }
0xe2: {  	v11 =	vcvt.s32.f32 v11;
	v15 =	vld [tilespmem:s20+$0x18740];
	v10 =	vmul.f32 v10, v1;
	v13 =	vadd.f32 v14, v13  }
0xe3: {  	v18 =	vand.u32 $0xFFF, v0;
	v2 =	vand.u32 $0xFFFFF000, v2;
	v14 =	vld [tilespmem:s20+$0x18750];
	v1 =	vadd.f32 v1, v12  }
0xe4: {  	v18 =	vcvt.s32.f32 v18;
	v11 =	vmul.f32 v11, v2;
	v12 =	vld [tilespmem:s20+$0x18760];
	v10 =	vadd.f32 v10, v13  }
0xe5: {  	v9 =	vld.idx.msk [tilespmem:v9+s3+$0x0], $0xffff;
	v0 =	vand.u32 $0xFFFFF000, v0;
	v1 =	vadd.f32 v2, v1;
	v2 =	vand.u32 $0xFFF, v3  }
0xe6: {  	v13 =	vld [tilespmem:s20+$0x18770];
	v10 =	vadd.f32 v11, v10;
	v11 =	vmul.f32 v18, v0;
	v2 =	vcvt.s32.f32 v2  }
0xe7: {  	v7 =	vld.idx.msk [tilespmem:v7+s3+$0x0], $0xffff;
	v3 =	vand.u32 $0xFFFFF000, v3;
	v0 =	vadd.f32 v0, v1;
	v1 =	vand.u32 $0xFFF, v4  }
0xe8: {  	v8 =	vld.idx.msk [tilespmem:v8+s3+$0x0], $0xffff;
	v10 =	vadd.f32 v11, v10;
	v1 =	vcvt.s32.f32 v1;
	v2 =	vmul.f32 v2, v3  }
0xe9: {  	v4 =	vand.u32 $0xFFFFF000, v4;
	v11 =	vld.idx.msk [tilespmem:v17+s3+$0x0], $0xffff;
	v17 =	vand.u32 $0xFFF, v5;
	v0 =	vadd.f32 v3, v0  }
0xea: {  	v3 =	vld.idx.msk [tilespmem:v15+s3+$0x0], $0xffff;
	v15 =	vcvt.s32.f32 v17;
	v2 =	vadd.f32 v2, v10;
	v1 =	vmul.f32 v1, v4  }
0xeb: {  	v5 =	vand.u32 $0xFFFFF000, v5;
	v10 =	vld.idx.msk [tilespmem:v14+s3+$0x0], $0xffff;
	v14 =	vand.u32 $0xFFF, v6;
	v0 =	vadd.f32 v4, v0  }
0xec: {  	v4 =	vld.idx.msk [tilespmem:v12+s3+$0x0], $0xffff;
	v12 =	vcvt.s32.f32 v14;
	v1 =	vadd.f32 v1, v2;
	v2 =	vmul.f32 v15, v5  }
0xed: {  	v16 =	vld.idx.msk [tilespmem:v16+s3+$0x0], $0xffff;
	v6 =	vand.u32 $0xFFFFF000, v6;
	v14 =	vand.u32 $0xFFF, v9;
	v0 =	vadd.f32 v5, v0  }
0xee: {  	v13 =	vld.idx.msk [tilespmem:v13+s3+$0x0], $0xffff;
	_ =	swait.ge [sflag:s17], $0x2000;
	v5 =	vcvt.s32.f32 v14;
	v1 =	vadd.f32 v2, v1;
	v2 =	vmul.f32 v12, v6  }
0xef: {  	v9 =	vand.u32 $0xFFFFF000, v9;
	[sflag:s17] =	ssyncset.done $0x0;
	v12 =	vand.u32 $0xFFF, v7;
	v0 =	vadd.f32 v6, v0  }
0xf0: {  	s30 =	simm.s32 $0x0;
	[sflag:s17] =	ssyncadd.s32 $0xFFFFE000;
	v6 =	vcvt.s32.f32 v12;
	v1 =	vadd.f32 v2, v1;
	v2 =	vmul.f32 v5, v9  }
0xf1: {  	v7 =	vand.u32 $0xFFFFF000, v7;
	v12 =	vand.u32 $0xFFF, v8;
	v5 =	vld [tilespmem:s30+$0x1A700];
	v0 =	vadd.f32 v9, v0  }
0xf2: {  	v9 =	vcvt.s32.f32 v12;
	v6 =	vmul.f32 v6, v7;
	v1 =	vadd.f32 v2, v1  }
0xf3: {  	v8 =	vand.u32 $0xFFFFF000, v8;
	v12 =	vand.u32 $0xFFF, v16;
	v2 =	vld [tilespmem:s30+$0x1A710];
	v0 =	vadd.f32 v7, v0  }
0xf4: {  	v7 =	vcvt.s32.f32 v12;
	v1 =	vadd.f32 v6, v1;
	v6 =	vmul.f32 v9, v8  }
0xf5: {  	s31 =	simm.s32 $0x80;
	v14 =	vand.u32 $0xFFFFF000, v16;
	v12 =	vand.u32 $0xFFF, v11;
	v9 =	vld [tilespmem:s30+$0x1A720];
	v0 =	vadd.f32 v8, v0  }
0xf6: {  	v15 =	vld [tilespmem:s31+$0x1A720];
	v8 =	vcvt.s32.f32 v12;
	v1 =	vadd.f32 v6, v1;
	v6 =	vmul.f32 v7, v14  }
0xf7: {  	v11 =	vand.u32 $0xFFFFF000, v11;
	v12 =	vand.u32 $0xFFF, v3;
	v7 =	vld [tilespmem:s30+$0x1A730];
	v0 =	vadd.f32 v14, v0  }
0xf8: {  	v12 =	vcvt.s32.f32 v12;
	v14 =	vld [tilespmem:s30+$0x1A740];
	v1 =	vadd.f32 v6, v1;
	v6 =	vmul.f32 v8, v11  }
0xf9: {  	v3 =	vand.u32 $0xFFFFF000, v3;
	v5 =	vld.idx.msk [tilespmem:v5+s3+$0x0], $0xffff;
	v8 =	vand.u32 $0xFFF, v10;
	v0 =	vadd.f32 v11, v0  }
0xfa: {  	v11 =	vld [tilespmem:s30+$0x1A750];
	v8 =	vcvt.s32.f32 v8;
	v1 =	vadd.f32 v6, v1;
	v6 =	vmul.f32 v12, v3  }
0xfb: {  	v10 =	vand.u32 $0xFFFFF000, v10;
	v2 =	vld.idx.msk [tilespmem:v2+s3+$0x0], $0xffff;
	v12 =	vand.u32 $0xFFF, v4;
	v0 =	vadd.f32 v3, v0  }
0xfc: {  	v3 =	vld [tilespmem:s30+$0x1A760];
	v12 =	vcvt.s32.f32 v12;
	v1 =	vadd.f32 v6, v1;
	v6 =	vmul.f32 v8, v10  }
0xfd: {  	v4 =	vand.u32 $0xFFFFF000, v4;
	v8 =	vld.idx.msk [tilespmem:v9+s3+$0x0], $0xffff;
	v9 =	vand.u32 $0xFFF, v13;
	v0 =	vadd.f32 v10, v0  }
0xfe: {  	v10 =	vld [tilespmem:s30+$0x1A770];
	v9 =	vcvt.s32.f32 v9;
	v1 =	vadd.f32 v6, v1;
	v6 =	vmul.f32 v12, v4  }
0xff: {  	v7 =	vld.idx.msk [tilespmem:v7+s3+$0x0], $0xffff;
	v12 =	vand.u32 $0xFFFFF000, v13;
	v0 =	vadd.f32 v4, v0  }
0x100: {  	v4 =	vld [tilespmem:s31+$0x1A700];
	v1 =	vadd.f32 v6, v1;
	v6 =	vmul.f32 v9, v12;
	v9 =	vand.u32 $0xFFF, v5  }
0x101: {  	v13 =	vld.idx.msk [tilespmem:v14+s3+$0x0], $0xffff;
	v5 =	vand.u32 $0xFFFFF000, v5;
	v9 =	vcvt.s32.f32 v9  }
0x102: {  	v0 =	vadd.f32 v12, v0;
	v12 =	vld [tilespmem:s31+$0x1A710];
	v1 =	vadd.f32 v6, v1;
	v6 =	vand.u32 $0xFFF, v2  }
0x103: {  	v11 =	vld.idx.msk [tilespmem:v11+s3+$0x0], $0xffff;
	v14 =	vand.u32 $0xFFF, v8;
	v6 =	vcvt.s32.f32 v6;
	v9 =	vmul.f32 v9, v5  }
0x104: {  	v62 =	vld [tilespmem:s31+$0x1A730];
	v2 =	vand.u32 $0xFFFFF000, v2;
	v14 =	vcvt.s32.f32 v14;
	v16 =	vand.u32 $0xFFF, v7  }
0x105: {  	v17 =	vld.idx.msk [tilespmem:v3+s3+$0x0], $0xffff;
	v0 =	vadd.f32 v5, v0;
	v1 =	vadd.f32 v9, v1;
	v3 =	vmul.f32 v6, v2  }
0x106: {  	v5 =	vand.u32 $0xFFFFF000, v8;
	v8 =	vand.u32 $0xFFF, v13;
	v6 =	vcvt.s32.f32 v16;
	v16 =	vld.idx.msk [tilespmem:v10+s3+$0x0], $0xffff  }
0x107: {  	v9 =	vld [tilespmem:s31+$0x1A740];
	v2 =	vadd.f32 v2, v0;
	v10 =	vmul.f32 v14, v5;
	v1 =	vadd.f32 v3, v1  }
0x108: {  	v3 =	vld.idx.msk [tilespmem:v4+s3+$0x0], $0xffff;
	v4 =	vand.u32 $0xFFFFF000, v7;
	v7 =	vcvt.s32.f32 v8;
	v8 =	vand.u32 $0xFFF, v11  }
0x109: {  	v0 =	vld [tilespmem:s31+$0x1A750];
	v2 =	vadd.f32 v5, v2;
	v6 =	vmul.f32 v6, v4;
	v10 =	vadd.f32 v10, v1  }
0x10a: {  	v8 =	vcvt.s32.f32 v8;
	v5 =	vld.idx.msk [tilespmem:v12+s3+$0x0], $0xffff;
	v12 =	vand.u32 $0xFFFFF000, v13;
	v13 =	vand.u32 $0xFFF, v17  }
0x10b: {  	v1 =	vld [tilespmem:s31+$0x1A760];
	v14 =	vadd.f32 v4, v2;
	v7 =	vmul.f32 v7, v12;
	v6 =	vadd.f32 v6, v10  }
0x10c: {  	v4 =	vld.idx.msk [tilespmem:v15+s3+$0x0], $0xffff;
	v10 =	vand.u32 $0xFFFFF000, v11;
	v11 =	vcvt.s32.f32 v13;
	v13 =	vand.u32 $0xFFF, v16  }
0x10d: {  	v2 =	vld [tilespmem:s31+$0x1A770];
	v12 =	vadd.f32 v12, v14;
	v14 =	vmul.f32 v8, v10;
	v7 =	vadd.f32 v7, v6  }
0x10e: {  	s20 =	simm.s32 $0x100;
	v17 =	vand.u32 $0xFFFFF000, v17;
	v15 =	vand.u32 $0xFFF, v3;
	v8 =	vld.idx.msk [tilespmem:v62+s3+$0x0], $0xffff;
	v63 =	vcvt.s32.f32 v13  }
0x10f: {  	v6 =	vld [tilespmem:s20+$0x1A700];
	v13 =	vadd.f32 v10, v12;
	v20 =	vmul.f32 v11, v17;
	v19 =	vadd.f32 v14, v7  }
0x110: {  	v10 =	vcvt.s32.f32 v15;
	v9 =	vld.idx.msk [tilespmem:v9+s3+$0x0], $0xffff;
	v11 =	vand.u32 $0xFFFFF000, v16;
	v12 =	vand.u32 $0xFFF, v5  }
0x111: {  	s21 =	simm.s32 $0x600;
	v15 =	vmul.f32 v63, v11;
	v7 =	vld [tilespmem:s20+$0x1A710];
	v14 =	vadd.f32 v17, v13;
	v13 =	vadd.f32 v20, v19  }
.LBB2_8:
0x112: {  	p0 =	sne.s32 s21, $0x7E00;
	v3 =	vand.u32 $0xFFFFF000, v3;
	v12 =	vcvt.s32.f32 v12;
	v16 =	vand.u32 $0xFFF, v4;
	v17 =	vld.idx.msk [tilespmem:v0+s3+$0x0], $0xffff  }
0x113: {  	v18 =	vld [tilespmem:s20+$0x1A720];
	v0 =	vmul.f32 v10, v3;
	v10 =	vadd.f32 v11, v14;
	v11 =	vadd.f32 v15, v13  }
0x114: {  	v5 =	vand.u32 $0xFFFFF000, v5;
	v13 =	vcvt.s32.f32 v16;
	v14 =	vand.u32 $0xFFF, v8;
	v15 =	vld.idx.msk [tilespmem:v1+s3+$0x0], $0xffff  }
0x115: {  	v16 =	vld [tilespmem:s20+$0x1A730];
	v1 =	vadd.f32 v3, v10;
	v0 =	vadd.f32 v0, v11;
	v3 =	vmul.f32 v12, v5  }
0x116: {  	v4 =	vand.u32 $0xFFFFF000, v4;
	v10 =	vcvt.s32.f32 v14;
	v11 =	vand.u32 $0xFFF, v9;
	v14 =	vld.idx.msk [tilespmem:v2+s3+$0x0], $0xffff  }
0x117: {  	v19 =	vld [tilespmem:s20+$0x1A740];
	v1 =	vadd.f32 v5, v1;
	v2 =	vadd.f32 v3, v0;
	v5 =	vmul.f32 v13, v4  }
0x118: {  	v3 =	vld.idx.msk [tilespmem:v6+s3+$0x0], $0xffff;
	v6 =	vand.u32 $0xFFFFF000, v8;
	v8 =	vcvt.s32.f32 v11;
	v11 =	vand.u32 $0xFFF, v17  }
0x119: {  	v0 =	vld [tilespmem:s20+$0x1A750];
	v4 =	vadd.f32 v4, v1;
	v2 =	vadd.f32 v5, v2;
	v10 =	vmul.f32 v10, v6  }
0x11a: {  	v5 =	vld.idx.msk [tilespmem:v7+s3+$0x0], $0xffff;
	v7 =	vand.u32 $0xFFFFF000, v9;
	v9 =	vcvt.s32.f32 v11;
	v11 =	vand.u32 $0xFFF, v15  }
0x11b: {  	v1 =	vld [tilespmem:s20+$0x1A760];
	v6 =	vadd.f32 v6, v4;
	v10 =	vadd.f32 v10, v2;
	v8 =	vmul.f32 v8, v7  }
0x11c: {  	v12 =	vand.u32 $0xFFFFF000, v17;
	v11 =	vcvt.s32.f32 v11;
	v13 =	vand.u32 $0xFFF, v14;
	v4 =	vld.idx.msk [tilespmem:v18+s3+$0x0], $0xffff  }
.Ltmp3:
0x11d: {  	v9 =	vmul.f32 v9, v12;
	v2 =	vld [tilespmem:s20+$0x1A770];
	v7 =	vadd.f32 v7, v6;
	v10 =	vadd.f32 v8, v10;
	(pc) =	sbr.rel @p0 .LBB2_8-.Ltmp3, $4  }
0x11e: {  	v15 =	vand.u32 $0xFFFFF000, v15;
	s20 =	sshra.s32 s21, $0x2;
	v17 =	vand.u32 $0xFFF, v3;
	v8 =	vld.idx.msk [tilespmem:v16+s3+$0x0], $0xffff;
	v16 =	vcvt.s32.f32 v13  }
0x11f: {  	v20 =	vmul.f32 v11, v15;
	v6 =	vld [tilespmem:s20+$0x1A700];
	v13 =	vadd.f32 v12, v7;
	v18 =	vadd.f32 v9, v10  }
0x120: {  	v11 =	vand.u32 $0xFFFFF000, v14;
	v10 =	vcvt.s32.f32 v17;
	v12 =	vand.u32 $0xFFF, v5;
	v9 =	vld.idx.msk [tilespmem:v19+s3+$0x0], $0xffff  }
0x121: {  	s21 =	sadd.s32 $0x200, s21;
	v7 =	vld [tilespmem:s20+$0x1A710];
	v14 =	vadd.f32 v15, v13;
	v13 =	vadd.f32 v20, v18;
	v15 =	vmul.f32 v16, v11  }
0x122: {  	_ = 	snop  }
0x123: {  	v3 =	vand.u32 $0xFFFFF000, v3;
	v11 =	vadd.f32 v11, v14  }
0x124: {  	v12 =	vcvt.s32.f32 v12;
	v10 =	vmul.f32 v10, v3;
	v13 =	vadd.f32 v15, v13  }
0x125: {  	v16 =	vand.u32 $0xFFF, v4;
	v5 =	vand.u32 $0xFFFFF000, v5;
	v3 =	vadd.f32 v3, v11  }
0x126: {  	v0 =	vld.idx.msk [tilespmem:v0+s3+$0x0], $0xffff;
	v17 =	vcvt.s32.f32 v16;
	v12 =	vmul.f32 v12, v5;
	v10 =	vadd.f32 v10, v13  }
0x127: {  	v18 =	vld [tilespmem:s20+$0x1A720];
	v20 =	vand.u32 $0xFFFFF000, v4;
	v19 =	vand.u32 $0xFFF, v8;
	v3 =	vadd.f32 v5, v3  }
0x128: {  	v1 =	vld.idx.msk [tilespmem:v1+s3+$0x0], $0xffff;
	v21 =	vcvt.s32.f32 v19;
	v11 =	vmul.f32 v17, v20;
	v10 =	vadd.f32 v12, v10  }
0x129: {  	v22 =	vld [tilespmem:s20+$0x1A730];
	v24 =	vand.u32 $0xFFFFF000, v8;
	v23 =	vand.u32 $0xFFF, v9;
	v3 =	vadd.f32 v20, v3  }
0x12a: {  	v2 =	vld.idx.msk [tilespmem:v2+s3+$0x0], $0xffff;
	v25 =	vcvt.s32.f32 v23;
	v5 =	vmul.f32 v21, v24;
	v10 =	vadd.f32 v11, v10  }
0x12b: {  	v26 =	vld [tilespmem:s20+$0x1A740];
	v28 =	vand.u32 $0xFFFFF000, v9;
	v27 =	vand.u32 $0xFFF, v0;
	v3 =	vadd.f32 v24, v3  }
0x12c: {  	v6 =	vld.idx.msk [tilespmem:v6+s3+$0x0], $0xffff;
	v29 =	vcvt.s32.f32 v27;
	v4 =	vmul.f32 v25, v28;
	v5 =	vadd.f32 v5, v10  }
0x12d: {  	v30 =	vld [tilespmem:s20+$0x1A750];
	v31 =	vand.u32 $0xFFF, v1;
	v0 =	vand.u32 $0xFFFFF000, v0;
	v3 =	vadd.f32 v28, v3  }
0x12e: {  	v7 =	vld.idx.msk [tilespmem:v7+s3+$0x0], $0xffff;
	v32 =	vcvt.s32.f32 v31;
	v33 =	vmul.f32 v29, v0;
	v4 =	vadd.f32 v4, v5  }
0x12f: {  	v34 =	vld [tilespmem:s20+$0x1A760];
	v35 =	vand.u32 $0xFFF, v2;
	v1 =	vand.u32 $0xFFFFF000, v1;
	v0 =	vadd.f32 v0, v3  }
0x130: {  	v37 =	vcvt.s32.f32 v35;
	v36 =	vld.idx.msk [tilespmem:v18+s3+$0x0], $0xffff;
	v38 =	vmul.f32 v32, v1;
	v4 =	vadd.f32 v33, v4  }
0x131: {  	v39 =	vld [tilespmem:s20+$0x1A770];
	v2 =	vand.u32 $0xFFFFF000, v2;
	v40 =	vand.u32 $0xFFF, v6;
	v0 =	vadd.f32 v1, v0  }
0x132: {  	v41 =	vld.idx.msk [tilespmem:v22+s3+$0x0], $0xffff;
	v42 =	vcvt.s32.f32 v40;
	v43 =	vmul.f32 v37, v2;
	v4 =	vadd.f32 v38, v4  }
0x133: {  	v6 =	vand.u32 $0xFFFFF000, v6;
	v44 =	vand.u32 $0xFFF, v7;
	v0 =	vadd.f32 v2, v0  }
0x134: {  	v45 =	vld.idx.msk [tilespmem:v26+s3+$0x0], $0xffff;
	v46 =	vcvt.s32.f32 v44;
	v12 =	vmul.f32 v42, v6;
	v4 =	vadd.f32 v43, v4  }
0x135: {  	v7 =	vand.u32 $0xFFFFF000, v7;
	v47 =	vand.u32 $0xFFF, v36;
	v0 =	vadd.f32 v6, v0  }
0x136: {  	v48 =	vld.idx.msk [tilespmem:v30+s3+$0x0], $0xffff;
	v49 =	vmul.f32 v46, v7;
	v5 =	vcvt.s32.f32 v47;
	v4 =	vadd.f32 v12, v4  }
0x137: {  	v50 =	vand.u32 $0xFFF, v41;
	v3 =	vand.u32 $0xFFFFF000, v36;
	v0 =	vadd.f32 v7, v0  }
0x138: {  	v51 =	vld.idx.msk [tilespmem:v34+s3+$0x0], $0xffff;
	v52 =	vcvt.s32.f32 v50;
	v5 =	vmul.f32 v5, v3;
	v4 =	vadd.f32 v49, v4  }
0x139: {  	v53 =	vand.u32 $0xFFF, v45;
	v1 =	vand.u32 $0xFFFFF000, v41;
	v0 =	vadd.f32 v3, v0  }
0x13a: {  	v54 =	vld.idx.msk [tilespmem:v39+s3+$0x0], $0xffff;
	v55 =	vcvt.s32.f32 v53;
	v56 =	vmul.f32 v52, v1;
	v4 =	vadd.f32 v5, v4  }
0x13b: {  	v57 =	vand.u32 $0xFFF, v48;
	v2 =	vand.u32 $0xFFFFF000, v45;
	v0 =	vadd.f32 v1, v0  }
0x13c: {  	v58 =	vcvt.s32.f32 v57;
	v59 =	vmul.f32 v55, v2;
	v4 =	vadd.f32 v56, v4  }
0x13d: {  	v60 =	vand.u32 $0xFFF, v51;
	v6 =	vand.u32 $0xFFFFF000, v48;
	v0 =	vadd.f32 v2, v0  }
0x13e: {  	v61 =	vcvt.s32.f32 v60;
	v1 =	vmul.f32 v58, v6;
	v4 =	vadd.f32 v59, v4  }
0x13f: {  	v62 =	vand.u32 $0xFFF, v54;
	v7 =	vand.u32 $0xFFFFF000, v51;
	v0 =	vadd.f32 v6, v0  }
0x140: {  	v5 =	vcvt.s32.f32 v62;
	v2 =	vmul.f32 v61, v7;
	v1 =	vadd.f32 v1, v4  }
0x141: {  	v3 =	vand.u32 $0xFFFFF000, v54;
	v0 =	vadd.f32 v7, v0  }
0x142: {  	v63 =	vmul.f32 v5, v3;
	v1 =	vadd.f32 v2, v1  }
0x143: {  	v0 =	vadd.f32 v3, v0  }
0x144: {  	s19 =	sadd.s32 $0x1, s19;
	v1 =	vadd.f32 v63, v1  }
0x145: {  	p0 =	sne.s32 s19, s12;
	[tilespmem:$0x1C700] =	vst v0  }
.Ltmp4:
0x146: {  	[tilespmem:$0x1C710] =	vst v1;
	(pc) =	sbr.rel @p0 .LBB2_1-.Ltmp4, $4  }
0x147: {  	[hbm4b:s11+s3] =	stream.linear.scatter [tilespmem:s18], [sflag:$0x3], $0x80, $0x38;
	[tilespmem:$0x1DFF0] =	vst v63  }
0x148: {  	_ =	swait.ge [sflag:s14], $0x80  }
0x149: {  	[sflag:s14] =	ssyncset.done $0x0  }
0x14a: {  	[sflag:s14] =	ssyncadd.s32 $0xFFFFFF80  }
0x14b: {  	_ =	sfence.sel $0x180000  }
0x14c: {  	[bflag:$0x0] =	sbarrier.arrive $0xFFFF  }
0x14d: {  	p0 =	sne.s32 s1, $0x0;
	_ =	strace $0x90000047  }
0x14e: {  	s0 =	sadd.s32 @!p0 $0x100000, s0;
	[bflag:$0x2] =	sbarrier.arrive $0xFFFF  }
0x14f: {  	[sflag:s0] =	ssyncadd.tile.s32 @!p0 $0x1;
	_ =	shalt  }
.Lfunc_end2:
_tile_overlayer_lowered:
.L_overlay_start_2:
0x150: {  	(tag) =	ssettag $0x2  }
0x151: {  	s0 =	rddreg [dreg:$0x0];
	s2 =	stileid.u32  }
0x152: {  	s1 =	rddreg [dreg:$0x1];
	p0 =	sne.s32 s2, $0x0  }
0x153: {  	s3 =	rddreg [dreg:$0x2];
	[bflag:$0x3] =	sbarrier.arrive $0xFFFF;
	s2 =	simm.s32 @!p0 $0x1C03  }
0x154: {  	[timem:s3], [sflag:s2] =	dma.local @!p0 [hbm:s0], s1  }
0x155: {  	s0 =	simm.s32 @!p0 $0x3  }
0x156: {  	_ =	swait.ge @!p0 [sflag:s0], s1  }
0x157: {  	s1 =	ssub.s32 @!p0 $0x0, s1;
	[sflag:s0] =	ssyncset.done @!p0 $0x0  }
0x158: {  	[sflag:s0] =	ssyncadd.s32 @!p0 s1  }
0x159: {  	[bflag:$0x3] =	sbarrier.arrive $0xFFFF  }
0x15a: {  	_ =	shalt  }

</sc_bundles>
